<compile_context>
chip_gen: v7x
topology: tpu7x:2x2x1
jax: 0.10.2.dev20260603
libtpu: 0.0.44.dev20260713+nightly
codegen_flags: <defaults>
</compile_context>

<pallas_src>
import functools

import jax
import jax.numpy as jnp
from jax import lax
from jax.experimental import pallas as pl
from jax.experimental.pallas import tpu as pltpu
from jax.experimental.pallas import tpu_sc as plsc

DIM = 64
B = 4096
L = 200
N = B * L
NC = 2
NS = 16
NW = NC * NS
BB = 128
ITEMS = N // BB
PER_W = ITEMS // NW
PER_W2 = PER_W // 2
NBLK = B // BB

_mesh = plsc.VectorSubcoreMesh(core_axis_name="c", subcore_axis_name="s")


@functools.partial(
    pl.kernel,
    mesh=_mesh,
    out_type=jax.ShapeDtypeStruct((L, DIM // 8, NBLK, 8, BB), jnp.float32),
    scratch_types=[
        pltpu.VMEM((PER_W * BB,), jnp.int32),
        pltpu.VMEM((BB, DIM), jnp.float32),
        pltpu.VMEM((BB, DIM), jnp.float32),
        pltpu.VMEM((DIM // 8, 8, BB + 1), jnp.float32),
        pltpu.VMEM((DIM // 8, 8, BB + 1), jnp.float32),
        pltpu.SemaphoreType.DMA,
        pltpu.SemaphoreType.DMA,
        pltpu.SemaphoreType.DMA,
        pltpu.SemaphoreType.DMA,
    ],
    compiler_params=pltpu.CompilerParams(
        use_tc_tiling_on_sc=False, needs_layout_passes=False),
)
def _emb_lookup(idx_hbm, table_hbm, out_hbm, idx_all, rows0, rows1,
                img0, img1, gsem0, gsem1, osem0, osem1):
    wid = lax.axis_index("s") * NC + lax.axis_index("c")
    base = wid * (PER_W * BB)
    pltpu.sync_copy(
        idx_hbm.at[pl.ds(pl.multiple_of(base, 8), PER_W * BB)], idx_all)

    iota16 = lax.iota(jnp.int32, 16)
    rows = (rows0, rows1)
    img = (img0, img1)
    gsem = (gsem0, gsem1)
    osem = (osem0, osem1)

    def gather_start(j, buf):
        off = pl.multiple_of(j * BB, 8)
        pltpu.async_copy(
            table_hbm.at[idx_all.at[pl.ds(off, BB)]], rows[buf], gsem[buf])

    gather_start(0, 0)

    scat_i0 = [(iota16 + 16 * k) >> 3 for k in range(4)]
    scat_i1 = [(iota16 + 16 * k) & 7 for k in range(4)]
    zeros16 = jnp.full((16,), 0, jnp.int32)

    def transpose_item(buf):
        rbuf = rows[buf]
        ibuf = img[buf]

        @plsc.parallel_loop(0, BB, unroll=8)
        def col(b):
            bvec = zeros16 + b
            for k in range(4):
                v = rbuf[b, pl.ds(16 * k, 16)]
                plsc.store_scatter(ibuf, [scat_i0[k], scat_i1[k], bvec], v)

    def half(j2, b, j):
        pltpu.make_async_copy(
            table_hbm.at[idx_all.at[pl.ds(0, BB)]], rows[b], gsem[b]).wait()

        nxt = j + 1
        if b == 0:
            gather_start(nxt, 1)
        else:
            @pl.when(j2 < PER_W2 - 1)
            def _():
                gather_start(nxt, 0)

        @pl.when(j2 > 0)
        def _():
            pltpu.make_async_copy(
                img[b].at[:, :, pl.ds(0, BB)], out_hbm.at[0, :, 0, :, :],
                osem[b]).wait()

        transpose_item(b)

        tr = wid * PER_W + j
        l = ((tr >> 8) << 3) | (tr & 7)
        bblk = (tr >> 3) & 31
        pltpu.async_copy(
            img[b].at[:, :, pl.ds(0, BB)], out_hbm.at[l, :, bblk, :, :],
            osem[b])

    def body(j2, carry):
        half(j2, 0, 2 * j2)
        half(j2, 1, 2 * j2 + 1)
        return carry

    lax.fori_loop(0, PER_W2, body, 0)
    pltpu.make_async_copy(
        img[0].at[:, :, pl.ds(0, BB)], out_hbm.at[0, :, 0, :, :], osem0).wait()
    pltpu.make_async_copy(
        img[1].at[:, :, pl.ds(0, BB)], out_hbm.at[0, :, 0, :, :], osem1).wait()


def kernel(token_ids, table):
    tnat = (token_ids.astype(jnp.int32)
            .transpose(1, 0)
            .reshape(L // 8, 8, NBLK, BB)
            .transpose(0, 2, 1, 3)
            .reshape(-1))
    out5 = _emb_lookup(tnat, table)
    return out5.transpose(2, 4, 0, 1, 3).reshape(B, L, DIM)

# --- scband reference (transcript-rebuilt; emitter-appended) ---
"""Pipeline reference for scband-embedding-layer-37881611551212 (READ-ONLY COPY).

The authoritative reference and input builder live on the scoring server;
editing this copy changes nothing except your own understanding.
"""

import jax, jax.numpy as jnp
import numpy as np

VOCAB = 1000000
DIM = 64
B = 4096
L = 200

def setup_inputs(seed: int = 0) -> dict:
    key = jax.random.key(seed)
    k_idx, k_tab = jax.random.split(key)
    token_ids = jax.random.randint(k_idx, (B, L), 0, VOCAB, dtype=jnp.int64 if jax.config.jax_enable_x64 else jnp.int32)
    table = jax.random.normal(k_tab, (VOCAB, DIM), dtype=jnp.float32) * 0.01
    return {"token_ids": token_ids, "table": table}

def reference(token_ids, table):
    # nn.Embedding lookup: gather rows of the table
    return jnp.take(table, token_ids, axis=0)

if __name__ == "__main__":
    import jax
    _d = setup_inputs()
    print(jax.jit(kernel)(*tuple(_d.values())))

</pallas_src>

<mosaic_0001>
#map = affine_map<(d0, d1) -> (0)>
#map1 = affine_map<(d0, d1) -> (0, 0)>
#map2 = affine_map<(d0, d1) -> (0, 0, 0, 0, 0)>
module attributes {stable_mosaic.version = 14 : i64} {
  func.func @_emb_lookup(%arg0: i32, %arg1: i32, %arg2: memref<819200xi32, #tpu.memory_space<hbm>>, %arg3: memref<1000000x64xf32, #tpu.memory_space<hbm>>, %arg4: memref<200x8x32x8x128xf32, #tpu.memory_space<hbm>>, %arg5: memref<25600xi32, #tpu.memory_space<vmem>>, %arg6: memref<128x64xf32, #tpu.memory_space<vmem>>, %arg7: memref<128x64xf32, #tpu.memory_space<vmem>>, %arg8: memref<8x8x129xf32, #tpu.memory_space<vmem>>, %arg9: memref<8x8x129xf32, #tpu.memory_space<vmem>>, %arg10: memref<!tpu.dma_semaphore, #tpu.memory_space<semaphore_mem>>, %arg11: memref<!tpu.dma_semaphore, #tpu.memory_space<semaphore_mem>>, %arg12: memref<!tpu.dma_semaphore, #tpu.memory_space<semaphore_mem>>, %arg13: memref<!tpu.dma_semaphore, #tpu.memory_space<semaphore_mem>>) attributes {dimension_semantics = [#tpu.dimension_semantics<core_parallel>, #tpu.dimension_semantics<subcore_parallel>], iteration_bounds = array<i64: 2, 16>, scalar_prefetch = 0 : i64, scratch_operands = 9 : i64, tpu.core_type = #tpu.core_type<sc_vector_subcore>, window_params = [{transform_indices = #map}, {transform_indices = #map1}, {transform_indices = #map2}]} {
    %mul3A = arith.constant 2 : i32
    %mul3A_0 = arith.muli %arg1, %mul3A : i32
    %add3A = arith.addi %mul3A_0, %arg0 : i32
    %mul3A_1 = arith.constant 25600 : i32
    %mul3A_2 = arith.muli %add3A, %mul3A_1 : i32
    %multiple_of3A = tpu.assume_multiple %mul3A_2, 8 : i32
    "tpu.region"() ({
      %run_scoped3A = tpu.sem_alloc : memref<!tpu.dma_semaphore, #tpu.memory_space<semaphore_mem>>
      %dma_start3A_99 = tpu.memref_slice %arg2[%multiple_of3A] : memref<819200xi32, #tpu.memory_space<hbm>> -> memref<25600xi32, #tpu.memory_space<hbm>>
      %dma_start3A_100 = tpu.memref_slice %arg2[%multiple_of3A] : memref<819200xi32, #tpu.memory_space<hbm>> -> memref<25600xi32, #tpu.memory_space<hbm>>
      tpu.enqueue_dma source(%dma_start3A_100 : memref<25600xi32, #tpu.memory_space<hbm>>) target(%arg5 : memref<25600xi32, #tpu.memory_space<vmem>>) target_semaphore(%run_scoped3A : memref<!tpu.dma_semaphore, #tpu.memory_space<semaphore_mem>>)
      %dma_wait3A_101 = tpu.memref_slice %arg2[%multiple_of3A] : memref<819200xi32, #tpu.memory_space<hbm>> -> memref<25600xi32, #tpu.memory_space<hbm>>
      %dma_wait3A_102 = tpu.memref_slice %arg2[%multiple_of3A] : memref<819200xi32, #tpu.memory_space<hbm>> -> memref<25600xi32, #tpu.memory_space<hbm>>
      tpu.wait_dma2 semaphore(%run_scoped3A : memref<!tpu.dma_semaphore, #tpu.memory_space<semaphore_mem>>) src(%dma_wait3A_102 : memref<25600xi32, #tpu.memory_space<hbm>>) dst(%arg5 : memref<25600xi32, #tpu.memory_space<vmem>>)
      tpu.yield
    }) : () -> ()
    %iota3A = tpu.iota {dimensions = array<i32: 0>} : vector<16xi32>
    %multiple_of3A_3 = arith.constant 0 : i32
    %multiple_of3A_4 = tpu.assume_multiple %multiple_of3A_3, 8 : i32
    %dma_start3A = tpu.memref_slice %arg5[%multiple_of3A_4] : memref<25600xi32, #tpu.memory_space<vmem>> -> memref<128xi32, #tpu.memory_space<vmem>>
    %dma_start3A_5 = arith.constant 0 : i32
    %dma_start3A_6 = arith.constant 0 : i32
    %dma_start3A_7 = tpu.memref_slice %arg3[%dma_start3A_5, %dma_start3A_6] : memref<1000000x64xf32, #tpu.memory_space<hbm>> -> memref<1000000x64xf32, #tpu.memory_space<hbm>>
    tpu.enqueue_indirect_dma source(%dma_start3A_7 : memref<1000000x64xf32, #tpu.memory_space<hbm>>) target(%arg6 : memref<128x64xf32, #tpu.memory_space<vmem>>) offsets(%dma_start3A : memref<128xi32, #tpu.memory_space<vmem>>) semaphore(%arg10 : memref<!tpu.dma_semaphore, #tpu.memory_space<semaphore_mem>>)
    %add3A_8 = arith.constant 0 : i32
    %add3A_9 = vector.broadcast %add3A_8 : i32 to vector<16xi32>
    %add3A_10 = arith.addi %iota3A, %add3A_9 : vector<16xi32>
    %shift_right_arithmetic3A = arith.constant 3 : i32
    %shift_right_arithmetic3A_11 = vector.broadcast %shift_right_arithmetic3A : i32 to vector<16xi32>
    %shift_right_arithmetic3A_12 = arith.shrsi %add3A_10, %shift_right_arithmetic3A_11 : vector<16xi32>
    %add3A_13 = arith.constant 16 : i32
    %add3A_14 = vector.broadcast %add3A_13 : i32 to vector<16xi32>
    %add3A_15 = arith.addi %iota3A, %add3A_14 : vector<16xi32>
    %shift_right_arithmetic3A_16 = arith.constant 3 : i32
    %shift_right_arithmetic3A_17 = vector.broadcast %shift_right_arithmetic3A_16 : i32 to vector<16xi32>
    %shift_right_arithmetic3A_18 = arith.shrsi %add3A_15, %shift_right_arithmetic3A_17 : vector<16xi32>
    %add3A_19 = arith.constant 32 : i32
    %add3A_20 = vector.broadcast %add3A_19 : i32 to vector<16xi32>
    %add3A_21 = arith.addi %iota3A, %add3A_20 : vector<16xi32>
    %shift_right_arithmetic3A_22 = arith.constant 3 : i32
    %shift_right_arithmetic3A_23 = vector.broadcast %shift_right_arithmetic3A_22 : i32 to vector<16xi32>
    %shift_right_arithmetic3A_24 = arith.shrsi %add3A_21, %shift_right_arithmetic3A_23 : vector<16xi32>
    %add3A_25 = arith.constant 48 : i32
    %add3A_26 = vector.broadcast %add3A_25 : i32 to vector<16xi32>
    %add3A_27 = arith.addi %iota3A, %add3A_26 : vector<16xi32>
    %shift_right_arithmetic3A_28 = arith.constant 3 : i32
    %shift_right_arithmetic3A_29 = vector.broadcast %shift_right_arithmetic3A_28 : i32 to vector<16xi32>
    %shift_right_arithmetic3A_30 = arith.shrsi %add3A_27, %shift_right_arithmetic3A_29 : vector<16xi32>
    %add3A_31 = arith.constant 0 : i32
    %add3A_32 = vector.broadcast %add3A_31 : i32 to vector<16xi32>
    %add3A_33 = arith.addi %iota3A, %add3A_32 : vector<16xi32>
    %and3A = arith.constant 7 : i32
    %and3A_34 = vector.broadcast %and3A : i32 to vector<16xi32>
    %and3A_35 = arith.andi %add3A_33, %and3A_34 : vector<16xi32>
    %add3A_36 = arith.constant 16 : i32
    %add3A_37 = vector.broadcast %add3A_36 : i32 to vector<16xi32>
    %add3A_38 = arith.addi %iota3A, %add3A_37 : vector<16xi32>
    %and3A_39 = arith.constant 7 : i32
    %and3A_40 = vector.broadcast %and3A_39 : i32 to vector<16xi32>
    %and3A_41 = arith.andi %add3A_38, %and3A_40 : vector<16xi32>
    %add3A_42 = arith.constant 32 : i32
    %add3A_43 = vector.broadcast %add3A_42 : i32 to vector<16xi32>
    %add3A_44 = arith.addi %iota3A, %add3A_43 : vector<16xi32>
    %and3A_45 = arith.constant 7 : i32
    %and3A_46 = vector.broadcast %and3A_45 : i32 to vector<16xi32>
    %and3A_47 = arith.andi %add3A_44, %and3A_46 : vector<16xi32>
    %add3A_48 = arith.constant 48 : i32
    %add3A_49 = vector.broadcast %add3A_48 : i32 to vector<16xi32>
    %add3A_50 = arith.addi %iota3A, %add3A_49 : vector<16xi32>
    %and3A_51 = arith.constant 7 : i32
    %and3A_52 = vector.broadcast %and3A_51 : i32 to vector<16xi32>
    %and3A_53 = arith.andi %add3A_50, %and3A_52 : vector<16xi32>
    %broadcast_in_dim3A = arith.constant 0 : i32
    %broadcast_in_dim3A_54 = vector.broadcast %broadcast_in_dim3A : i32 to vector<16xi32>
    %scan3A = arith.constant 0 : i32
    %scan3A_55 = arith.constant 0 : i32
    %scan3A_56 = arith.constant 100 : i32
    %scan3A_57 = arith.addi %scan3A_55, %scan3A_56 : i32
    %scan3A_58 = arith.constant 1 : i32
    scf.for %scan3A_99 = %scan3A_55 to %scan3A_57 step %scan3A_58  : i32 {
      %mul3A_100 = arith.constant 2 : i32
      %mul3A_101 = arith.muli %mul3A_100, %scan3A_99 : i32
      %dma_wait3A_102 = arith.constant 0 : i32
      %dma_wait3A_103 = tpu.memref_slice %arg5[%dma_wait3A_102] : memref<25600xi32, #tpu.memory_space<vmem>> -> memref<128xi32, #tpu.memory_space<vmem>>
      %dma_wait3A_104 = arith.constant 0 : i32
      %dma_wait3A_105 = arith.constant 0 : i32
      %dma_wait3A_106 = tpu.memref_slice %arg3[%dma_wait3A_104, %dma_wait3A_105] : memref<1000000x64xf32, #tpu.memory_space<hbm>> -> memref<1000000x64xf32, #tpu.memory_space<hbm>>
      tpu.wait_indirect_dma semaphore(%arg10 : memref<!tpu.dma_semaphore, #tpu.memory_space<semaphore_mem>>) src(%dma_wait3A_106 : memref<1000000x64xf32, #tpu.memory_space<hbm>>) dst(%arg6 : memref<128x64xf32, #tpu.memory_space<vmem>>)
      %add3A_107 = arith.constant 1 : i32
      %add3A_108 = arith.addi %mul3A_101, %add3A_107 : i32
      %mul3A_109 = arith.constant 128 : i32
      %mul3A_110 = arith.muli %add3A_108, %mul3A_109 : i32
      %multiple_of3A_111 = tpu.assume_multiple %mul3A_110, 8 : i32
      %dma_start3A_112 = tpu.memref_slice %arg5[%multiple_of3A_111] : memref<25600xi32, #tpu.memory_space<vmem>> -> memref<128xi32, #tpu.memory_space<vmem>>
      %dma_start3A_113 = arith.constant 0 : i32
      %dma_start3A_114 = arith.constant 0 : i32
      %dma_start3A_115 = tpu.memref_slice %arg3[%dma_start3A_113, %dma_start3A_114] : memref<1000000x64xf32, #tpu.memory_space<hbm>> -> memref<1000000x64xf32, #tpu.memory_space<hbm>>
      tpu.enqueue_indirect_dma source(%dma_start3A_115 : memref<1000000x64xf32, #tpu.memory_space<hbm>>) target(%arg7 : memref<128x64xf32, #tpu.memory_space<vmem>>) offsets(%dma_start3A_112 : memref<128xi32, #tpu.memory_space<vmem>>) semaphore(%arg11 : memref<!tpu.dma_semaphore, #tpu.memory_space<semaphore_mem>>)
      %gt3A = arith.constant 0 : i32
      %gt3A_116 = arith.cmpi sgt, %scan3A_99, %gt3A : i32
      %convert_element_type3A = arith.extui %gt3A_116 : i1 to i32
      %cond3A = arith.constant 0 : i32
      %cond3A_117 = arith.cmpi ne, %convert_element_type3A, %cond3A : i32
      scf.if %cond3A_117 {
        %dma_wait3A_205 = arith.constant 0 : i32
        %dma_wait3A_206 = arith.constant 0 : i32
        %dma_wait3A_207 = arith.constant 0 : i32
        %dma_wait3A_208 = arith.constant 0 : i32
        %dma_wait3A_209 = arith.constant 0 : i32
        %dma_wait3A_210 = tpu.memref_slice %arg8[%dma_wait3A_207, %dma_wait3A_208, %dma_wait3A_209] : memref<8x8x129xf32, #tpu.memory_space<vmem>> -> memref<8x8x128xf32, #tpu.memory_space<vmem>>
        %dma_wait3A_211 = arith.constant 0 : i32
        %dma_wait3A_212 = arith.constant 0 : i32
        %dma_wait3A_213 = arith.constant 0 : i32
        %dma_wait3A_214 = tpu.memref_slice %arg4[%dma_wait3A_205, %dma_wait3A_211, %dma_wait3A_206, %dma_wait3A_212, %dma_wait3A_213] : memref<200x8x32x8x128xf32, #tpu.memory_space<hbm>> -> memref<1x8x1x8x128xf32, #tpu.memory_space<hbm>>
        %dma_wait3A_215 = tpu.memref_squeeze %dma_wait3A_214 : memref<1x8x1x8x128xf32, #tpu.memory_space<hbm>> -> memref<8x8x128xf32, #tpu.memory_space<hbm>>
        %dma_wait3A_216 = arith.constant 0 : i32
        %dma_wait3A_217 = arith.constant 0 : i32
        %dma_wait3A_218 = arith.constant 0 : i32
        %dma_wait3A_219 = tpu.memref_slice %arg4[%dma_wait3A_205, %dma_wait3A_216, %dma_wait3A_206, %dma_wait3A_217, %dma_wait3A_218] : memref<200x8x32x8x128xf32, #tpu.memory_space<hbm>> -> memref<1x8x1x8x128xf32, #tpu.memory_space<hbm>>
        %dma_wait3A_220 = tpu.memref_squeeze %dma_wait3A_219 : memref<1x8x1x8x128xf32, #tpu.memory_space<hbm>> -> memref<8x8x128xf32, #tpu.memory_space<hbm>>
        %dma_wait3A_221 = arith.constant 0 : i32
        %dma_wait3A_222 = arith.constant 0 : i32
        %dma_wait3A_223 = arith.constant 0 : i32
        %dma_wait3A_224 = tpu.memref_slice %arg8[%dma_wait3A_221, %dma_wait3A_222, %dma_wait3A_223] : memref<8x8x129xf32, #tpu.memory_space<vmem>> -> memref<8x8x128xf32, #tpu.memory_space<vmem>>
        tpu.wait_dma2 semaphore(%arg12 : memref<!tpu.dma_semaphore, #tpu.memory_space<semaphore_mem>>) src(%dma_wait3A_224 : memref<8x8x128xf32, #tpu.memory_space<vmem>>) dst(%dma_wait3A_220 : memref<8x8x128xf32, #tpu.memory_space<hbm>>)
      } else {
      }
      %parallel_loop3A = arith.constant 0 : i32
      %parallel_loop3A_118 = arith.constant 128 : i32
      %parallel_loop3A_119 = arith.constant 1 : i32
      scf.for %parallel_loop3A_205 = %parallel_loop3A to %parallel_loop3A_118 step %parallel_loop3A_119  : i32 {
        %parallel_loop3A_206 = vector.broadcast %parallel_loop3A_205 : i32 to vector<16xi32>
        %parallel_loop3A_207 = arith.addi %broadcast_in_dim3A_54, %parallel_loop3A_206 : vector<16xi32>
        %parallel_loop3A_208 = arith.index_cast %parallel_loop3A_205 : i32 to index
        %parallel_loop3A_209 = arith.constant 0 : index
        %parallel_loop3A_210 = tpu.vector_load %arg6[%parallel_loop3A_208, %parallel_loop3A_209] {strides = array<i32>} : memref<128x64xf32, #tpu.memory_space<vmem>>, vector<16xf32>,
        tpu.vector_store_idx %arg8[%shift_right_arithmetic3A_12, %and3A_35, %parallel_loop3A_207], %parallel_loop3A_210 : memref<8x8x129xf32, #tpu.memory_space<vmem>>[vector<16xi32>, vector<16xi32>, vector<16xi32>], vector<16xf32>,
        %parallel_loop3A_211 = arith.index_cast %parallel_loop3A_205 : i32 to index
        %parallel_loop3A_212 = arith.constant 16 : index
        %parallel_loop3A_213 = tpu.vector_load %arg6[%parallel_loop3A_211, %parallel_loop3A_212] {strides = array<i32>} : memref<128x64xf32, #tpu.memory_space<vmem>>, vector<16xf32>,
        tpu.vector_store_idx %arg8[%shift_right_arithmetic3A_18, %and3A_41, %parallel_loop3A_207], %parallel_loop3A_213 : memref<8x8x129xf32, #tpu.memory_space<vmem>>[vector<16xi32>, vector<16xi32>, vector<16xi32>], vector<16xf32>,
        %parallel_loop3A_214 = arith.index_cast %parallel_loop3A_205 : i32 to index
        %parallel_loop3A_215 = arith.constant 32 : index
        %parallel_loop3A_216 = tpu.vector_load %arg6[%parallel_loop3A_214, %parallel_loop3A_215] {strides = array<i32>} : memref<128x64xf32, #tpu.memory_space<vmem>>, vector<16xf32>,
        tpu.vector_store_idx %arg8[%shift_right_arithmetic3A_24, %and3A_47, %parallel_loop3A_207], %parallel_loop3A_216 : memref<8x8x129xf32, #tpu.memory_space<vmem>>[vector<16xi32>, vector<16xi32>, vector<16xi32>], vector<16xf32>,
        %parallel_loop3A_217 = arith.index_cast %parallel_loop3A_205 : i32 to index
        %parallel_loop3A_218 = arith.constant 48 : index
        %parallel_loop3A_219 = tpu.vector_load %arg6[%parallel_loop3A_217, %parallel_loop3A_218] {strides = array<i32>} : memref<128x64xf32, #tpu.memory_space<vmem>>, vector<16xf32>,
        tpu.vector_store_idx %arg8[%shift_right_arithmetic3A_30, %and3A_53, %parallel_loop3A_207], %parallel_loop3A_219 : memref<8x8x129xf32, #tpu.memory_space<vmem>>[vector<16xi32>, vector<16xi32>, vector<16xi32>], vector<16xf32>,
      } {sc.loop_unroll_factor = 8 : i64, sc.parallel_access}
      %mul3A_120 = arith.constant 200 : i32
      %mul3A_121 = arith.muli %add3A, %mul3A_120 : i32
      %add3A_122 = arith.addi %mul3A_121, %mul3A_101 : i32
      %shift_right_arithmetic3A_123 = arith.constant 8 : i32
      %shift_right_arithmetic3A_124 = arith.shrsi %add3A_122, %shift_right_arithmetic3A_123 : i32
      %shift_left3A = arith.constant 3 : i32
      %shift_left3A_125 = arith.shli %shift_right_arithmetic3A_124, %shift_left3A : i32
      %and3A_126 = arith.constant 7 : i32
      %and3A_127 = arith.andi %add3A_122, %and3A_126 : i32
      %or3A = arith.ori %shift_left3A_125, %and3A_127 : i32
      %shift_right_arithmetic3A_128 = arith.constant 3 : i32
      %shift_right_arithmetic3A_129 = arith.shrsi %add3A_122, %shift_right_arithmetic3A_128 : i32
      %and3A_130 = arith.constant 31 : i32
      %and3A_131 = arith.andi %shift_right_arithmetic3A_129, %and3A_130 : i32
      %dma_start3A_132 = arith.constant 0 : i32
      %dma_start3A_133 = arith.constant 0 : i32
      %dma_start3A_134 = arith.constant 0 : i32
      %dma_start3A_135 = tpu.memref_slice %arg8[%dma_start3A_132, %dma_start3A_133, %dma_start3A_134] : memref<8x8x129xf32, #tpu.memory_space<vmem>> -> memref<8x8x128xf32, #tpu.memory_space<vmem>>
      %dma_start3A_136 = arith.constant 0 : i32
      %dma_start3A_137 = arith.constant 0 : i32
      %dma_start3A_138 = arith.constant 0 : i32
      %dma_start3A_139 = tpu.memref_slice %arg4[%or3A, %dma_start3A_136, %and3A_131, %dma_start3A_137, %dma_start3A_138] : memref<200x8x32x8x128xf32, #tpu.memory_space<hbm>> -> memref<1x8x1x8x128xf32, #tpu.memory_space<hbm>>
      %dma_start3A_140 = tpu.memref_squeeze %dma_start3A_139 : memref<1x8x1x8x128xf32, #tpu.memory_space<hbm>> -> memref<8x8x128xf32, #tpu.memory_space<hbm>>
      %dma_start3A_141 = arith.constant 0 : i32
      %dma_start3A_142 = arith.constant 0 : i32
      %dma_start3A_143 = arith.constant 0 : i32
      %dma_start3A_144 = tpu.memref_slice %arg4[%or3A, %dma_start3A_141, %and3A_131, %dma_start3A_142, %dma_start3A_143] : memref<200x8x32x8x128xf32, #tpu.memory_space<hbm>> -> memref<1x8x1x8x128xf32, #tpu.memory_space<hbm>>
      %dma_start3A_145 = tpu.memref_squeeze %dma_start3A_144 : memref<1x8x1x8x128xf32, #tpu.memory_space<hbm>> -> memref<8x8x128xf32, #tpu.memory_space<hbm>>
      %dma_start3A_146 = arith.constant 0 : i32
      %dma_start3A_147 = arith.constant 0 : i32
      %dma_start3A_148 = arith.constant 0 : i32
      %dma_start3A_149 = tpu.memref_slice %arg8[%dma_start3A_146, %dma_start3A_147, %dma_start3A_148] : memref<8x8x129xf32, #tpu.memory_space<vmem>> -> memref<8x8x128xf32, #tpu.memory_space<vmem>>
      tpu.enqueue_dma source(%dma_start3A_149 : memref<8x8x128xf32, #tpu.memory_space<vmem>>) target(%dma_start3A_145 : memref<8x8x128xf32, #tpu.memory_space<hbm>>) target_semaphore(%arg12 : memref<!tpu.dma_semaphore, #tpu.memory_space<semaphore_mem>>)
      %mul3A_150 = arith.constant 2 : i32
      %mul3A_151 = arith.muli %mul3A_150, %scan3A_99 : i32
      %add3A_152 = arith.constant 1 : i32
      %add3A_153 = arith.addi %mul3A_151, %add3A_152 : i32
      %dma_wait3A_154 = arith.constant 0 : i32
      %dma_wait3A_155 = tpu.memref_slice %arg5[%dma_wait3A_154] : memref<25600xi32, #tpu.memory_space<vmem>> -> memref<128xi32, #tpu.memory_space<vmem>>
      %dma_wait3A_156 = arith.constant 0 : i32
      %dma_wait3A_157 = arith.constant 0 : i32
      %dma_wait3A_158 = tpu.memref_slice %arg3[%dma_wait3A_156, %dma_wait3A_157] : memref<1000000x64xf32, #tpu.memory_space<hbm>> -> memref<1000000x64xf32, #tpu.memory_space<hbm>>
      tpu.wait_indirect_dma semaphore(%arg11 : memref<!tpu.dma_semaphore, #tpu.memory_space<semaphore_mem>>) src(%dma_wait3A_158 : memref<1000000x64xf32, #tpu.memory_space<hbm>>) dst(%arg7 : memref<128x64xf32, #tpu.memory_space<vmem>>)
      %add3A_159 = arith.constant 1 : i32
      %add3A_160 = arith.addi %add3A_153, %add3A_159 : i32
      %lt3A = arith.constant 99 : i32
      %lt3A_161 = arith.cmpi slt, %scan3A_99, %lt3A : i32
      %convert_element_type3A_162 = arith.extui %lt3A_161 : i1 to i32
      %cond3A_163 = arith.constant 0 : i32
      %cond3A_164 = arith.cmpi ne, %convert_element_type3A_162, %cond3A_163 : i32
      scf.if %cond3A_164 {
        %mul3A_205 = arith.constant 128 : i32
        %mul3A_206 = arith.muli %add3A_160, %mul3A_205 : i32
        %multiple_of3A_207 = tpu.assume_multiple %mul3A_206, 8 : i32
        %dma_start3A_208 = tpu.memref_slice %arg5[%multiple_of3A_207] : memref<25600xi32, #tpu.memory_space<vmem>> -> memref<128xi32, #tpu.memory_space<vmem>>
        %dma_start3A_209 = arith.constant 0 : i32
        %dma_start3A_210 = arith.constant 0 : i32
        %dma_start3A_211 = tpu.memref_slice %arg3[%dma_start3A_209, %dma_start3A_210] : memref<1000000x64xf32, #tpu.memory_space<hbm>> -> memref<1000000x64xf32, #tpu.memory_space<hbm>>
        tpu.enqueue_indirect_dma source(%dma_start3A_211 : memref<1000000x64xf32, #tpu.memory_space<hbm>>) target(%arg6 : memref<128x64xf32, #tpu.memory_space<vmem>>) offsets(%dma_start3A_208 : memref<128xi32, #tpu.memory_space<vmem>>) semaphore(%arg10 : memref<!tpu.dma_semaphore, #tpu.memory_space<semaphore_mem>>)
      } else {
      }
      %gt3A_165 = arith.constant 0 : i32
      %gt3A_166 = arith.cmpi sgt, %scan3A_99, %gt3A_165 : i32
      %convert_element_type3A_167 = arith.extui %gt3A_166 : i1 to i32
      %cond3A_168 = arith.constant 0 : i32
      %cond3A_169 = arith.cmpi ne, %convert_element_type3A_167, %cond3A_168 : i32
      scf.if %cond3A_169 {
        %dma_wait3A_205 = arith.constant 0 : i32
        %dma_wait3A_206 = arith.constant 0 : i32
        %dma_wait3A_207 = arith.constant 0 : i32
        %dma_wait3A_208 = arith.constant 0 : i32
        %dma_wait3A_209 = arith.constant 0 : i32
        %dma_wait3A_210 = tpu.memref_slice %arg9[%dma_wait3A_207, %dma_wait3A_208, %dma_wait3A_209] : memref<8x8x129xf32, #tpu.memory_space<vmem>> -> memref<8x8x128xf32, #tpu.memory_space<vmem>>
        %dma_wait3A_211 = arith.constant 0 : i32
        %dma_wait3A_212 = arith.constant 0 : i32
        %dma_wait3A_213 = arith.constant 0 : i32
        %dma_wait3A_214 = tpu.memref_slice %arg4[%dma_wait3A_205, %dma_wait3A_211, %dma_wait3A_206, %dma_wait3A_212, %dma_wait3A_213] : memref<200x8x32x8x128xf32, #tpu.memory_space<hbm>> -> memref<1x8x1x8x128xf32, #tpu.memory_space<hbm>>
        %dma_wait3A_215 = tpu.memref_squeeze %dma_wait3A_214 : memref<1x8x1x8x128xf32, #tpu.memory_space<hbm>> -> memref<8x8x128xf32, #tpu.memory_space<hbm>>
        %dma_wait3A_216 = arith.constant 0 : i32
        %dma_wait3A_217 = arith.constant 0 : i32
        %dma_wait3A_218 = arith.constant 0 : i32
        %dma_wait3A_219 = tpu.memref_slice %arg4[%dma_wait3A_205, %dma_wait3A_216, %dma_wait3A_206, %dma_wait3A_217, %dma_wait3A_218] : memref<200x8x32x8x128xf32, #tpu.memory_space<hbm>> -> memref<1x8x1x8x128xf32, #tpu.memory_space<hbm>>
        %dma_wait3A_220 = tpu.memref_squeeze %dma_wait3A_219 : memref<1x8x1x8x128xf32, #tpu.memory_space<hbm>> -> memref<8x8x128xf32, #tpu.memory_space<hbm>>
        %dma_wait3A_221 = arith.constant 0 : i32
        %dma_wait3A_222 = arith.constant 0 : i32
        %dma_wait3A_223 = arith.constant 0 : i32
        %dma_wait3A_224 = tpu.memref_slice %arg9[%dma_wait3A_221, %dma_wait3A_222, %dma_wait3A_223] : memref<8x8x129xf32, #tpu.memory_space<vmem>> -> memref<8x8x128xf32, #tpu.memory_space<vmem>>
        tpu.wait_dma2 semaphore(%arg13 : memref<!tpu.dma_semaphore, #tpu.memory_space<semaphore_mem>>) src(%dma_wait3A_224 : memref<8x8x128xf32, #tpu.memory_space<vmem>>) dst(%dma_wait3A_220 : memref<8x8x128xf32, #tpu.memory_space<hbm>>)
      } else {
      }
      %parallel_loop3A_170 = arith.constant 0 : i32
      %parallel_loop3A_171 = arith.constant 128 : i32
      %parallel_loop3A_172 = arith.constant 1 : i32
      scf.for %parallel_loop3A_205 = %parallel_loop3A_170 to %parallel_loop3A_171 step %parallel_loop3A_172  : i32 {
        %parallel_loop3A_206 = vector.broadcast %parallel_loop3A_205 : i32 to vector<16xi32>
        %parallel_loop3A_207 = arith.addi %broadcast_in_dim3A_54, %parallel_loop3A_206 : vector<16xi32>
        %parallel_loop3A_208 = arith.index_cast %parallel_loop3A_205 : i32 to index
        %parallel_loop3A_209 = arith.constant 0 : index
        %parallel_loop3A_210 = tpu.vector_load %arg7[%parallel_loop3A_208, %parallel_loop3A_209] {strides = array<i32>} : memref<128x64xf32, #tpu.memory_space<vmem>>, vector<16xf32>,
        tpu.vector_store_idx %arg9[%shift_right_arithmetic3A_12, %and3A_35, %parallel_loop3A_207], %parallel_loop3A_210 : memref<8x8x129xf32, #tpu.memory_space<vmem>>[vector<16xi32>, vector<16xi32>, vector<16xi32>], vector<16xf32>,
        %parallel_loop3A_211 = arith.index_cast %parallel_loop3A_205 : i32 to index
        %parallel_loop3A_212 = arith.constant 16 : index
        %parallel_loop3A_213 = tpu.vector_load %arg7[%parallel_loop3A_211, %parallel_loop3A_212] {strides = array<i32>} : memref<128x64xf32, #tpu.memory_space<vmem>>, vector<16xf32>,
        tpu.vector_store_idx %arg9[%shift_right_arithmetic3A_18, %and3A_41, %parallel_loop3A_207], %parallel_loop3A_213 : memref<8x8x129xf32, #tpu.memory_space<vmem>>[vector<16xi32>, vector<16xi32>, vector<16xi32>], vector<16xf32>,
        %parallel_loop3A_214 = arith.index_cast %parallel_loop3A_205 : i32 to index
        %parallel_loop3A_215 = arith.constant 32 : index
        %parallel_loop3A_216 = tpu.vector_load %arg7[%parallel_loop3A_214, %parallel_loop3A_215] {strides = array<i32>} : memref<128x64xf32, #tpu.memory_space<vmem>>, vector<16xf32>,
        tpu.vector_store_idx %arg9[%shift_right_arithmetic3A_24, %and3A_47, %parallel_loop3A_207], %parallel_loop3A_216 : memref<8x8x129xf32, #tpu.memory_space<vmem>>[vector<16xi32>, vector<16xi32>, vector<16xi32>], vector<16xf32>,
        %parallel_loop3A_217 = arith.index_cast %parallel_loop3A_205 : i32 to index
        %parallel_loop3A_218 = arith.constant 48 : index
        %parallel_loop3A_219 = tpu.vector_load %arg7[%parallel_loop3A_217, %parallel_loop3A_218] {strides = array<i32>} : memref<128x64xf32, #tpu.memory_space<vmem>>, vector<16xf32>,
        tpu.vector_store_idx %arg9[%shift_right_arithmetic3A_30, %and3A_53, %parallel_loop3A_207], %parallel_loop3A_219 : memref<8x8x129xf32, #tpu.memory_space<vmem>>[vector<16xi32>, vector<16xi32>, vector<16xi32>], vector<16xf32>,
      } {sc.loop_unroll_factor = 8 : i64, sc.parallel_access}
      %mul3A_173 = arith.constant 200 : i32
      %mul3A_174 = arith.muli %add3A, %mul3A_173 : i32
      %add3A_175 = arith.addi %mul3A_174, %add3A_153 : i32
      %shift_right_arithmetic3A_176 = arith.constant 8 : i32
      %shift_right_arithmetic3A_177 = arith.shrsi %add3A_175, %shift_right_arithmetic3A_176 : i32
      %shift_left3A_178 = arith.constant 3 : i32
      %shift_left3A_179 = arith.shli %shift_right_arithmetic3A_177, %shift_left3A_178 : i32
      %and3A_180 = arith.constant 7 : i32
      %and3A_181 = arith.andi %add3A_175, %and3A_180 : i32
      %or3A_182 = arith.ori %shift_left3A_179, %and3A_181 : i32
      %shift_right_arithmetic3A_183 = arith.constant 3 : i32
      %shift_right_arithmetic3A_184 = arith.shrsi %add3A_175, %shift_right_arithmetic3A_183 : i32
      %and3A_185 = arith.constant 31 : i32
      %and3A_186 = arith.andi %shift_right_arithmetic3A_184, %and3A_185 : i32
      %dma_start3A_187 = arith.constant 0 : i32
      %dma_start3A_188 = arith.constant 0 : i32
      %dma_start3A_189 = arith.constant 0 : i32
      %dma_start3A_190 = tpu.memref_slice %arg9[%dma_start3A_187, %dma_start3A_188, %dma_start3A_189] : memref<8x8x129xf32, #tpu.memory_space<vmem>> -> memref<8x8x128xf32, #tpu.memory_space<vmem>>
      %dma_start3A_191 = arith.constant 0 : i32
      %dma_start3A_192 = arith.constant 0 : i32
      %dma_start3A_193 = arith.constant 0 : i32
      %dma_start3A_194 = tpu.memref_slice %arg4[%or3A_182, %dma_start3A_191, %and3A_186, %dma_start3A_192, %dma_start3A_193] : memref<200x8x32x8x128xf32, #tpu.memory_space<hbm>> -> memref<1x8x1x8x128xf32, #tpu.memory_space<hbm>>
      %dma_start3A_195 = tpu.memref_squeeze %dma_start3A_194 : memref<1x8x1x8x128xf32, #tpu.memory_space<hbm>> -> memref<8x8x128xf32, #tpu.memory_space<hbm>>
      %dma_start3A_196 = arith.constant 0 : i32
      %dma_start3A_197 = arith.constant 0 : i32
      %dma_start3A_198 = arith.constant 0 : i32
      %dma_start3A_199 = tpu.memref_slice %arg4[%or3A_182, %dma_start3A_196, %and3A_186, %dma_start3A_197, %dma_start3A_198] : memref<200x8x32x8x128xf32, #tpu.memory_space<hbm>> -> memref<1x8x1x8x128xf32, #tpu.memory_space<hbm>>
      %dma_start3A_200 = tpu.memref_squeeze %dma_start3A_199 : memref<1x8x1x8x128xf32, #tpu.memory_space<hbm>> -> memref<8x8x128xf32, #tpu.memory_space<hbm>>
      %dma_start3A_201 = arith.constant 0 : i32
      %dma_start3A_202 = arith.constant 0 : i32
      %dma_start3A_203 = arith.constant 0 : i32
      %dma_start3A_204 = tpu.memref_slice %arg9[%dma_start3A_201, %dma_start3A_202, %dma_start3A_203] : memref<8x8x129xf32, #tpu.memory_space<vmem>> -> memref<8x8x128xf32, #tpu.memory_space<vmem>>
      tpu.enqueue_dma source(%dma_start3A_204 : memref<8x8x128xf32, #tpu.memory_space<vmem>>) target(%dma_start3A_200 : memref<8x8x128xf32, #tpu.memory_space<hbm>>) target_semaphore(%arg13 : memref<!tpu.dma_semaphore, #tpu.memory_space<semaphore_mem>>)
    }
    %scan3A_59 = arith.constant 100 : i32
    %dma_wait3A = arith.constant 0 : i32
    %dma_wait3A_60 = arith.constant 0 : i32
    %dma_wait3A_61 = arith.constant 0 : i32
    %dma_wait3A_62 = arith.constant 0 : i32
    %dma_wait3A_63 = arith.constant 0 : i32
    %dma_wait3A_64 = tpu.memref_slice %arg8[%dma_wait3A_61, %dma_wait3A_62, %dma_wait3A_63] : memref<8x8x129xf32, #tpu.memory_space<vmem>> -> memref<8x8x128xf32, #tpu.memory_space<vmem>>
    %dma_wait3A_65 = arith.constant 0 : i32
    %dma_wait3A_66 = arith.constant 0 : i32
    %dma_wait3A_67 = arith.constant 0 : i32
    %dma_wait3A_68 = tpu.memref_slice %arg4[%dma_wait3A, %dma_wait3A_65, %dma_wait3A_60, %dma_wait3A_66, %dma_wait3A_67] : memref<200x8x32x8x128xf32, #tpu.memory_space<hbm>> -> memref<1x8x1x8x128xf32, #tpu.memory_space<hbm>>
    %dma_wait3A_69 = tpu.memref_squeeze %dma_wait3A_68 : memref<1x8x1x8x128xf32, #tpu.memory_space<hbm>> -> memref<8x8x128xf32, #tpu.memory_space<hbm>>
    %dma_wait3A_70 = arith.constant 0 : i32
    %dma_wait3A_71 = arith.constant 0 : i32
    %dma_wait3A_72 = arith.constant 0 : i32
    %dma_wait3A_73 = tpu.memref_slice %arg4[%dma_wait3A, %dma_wait3A_70, %dma_wait3A_60, %dma_wait3A_71, %dma_wait3A_72] : memref<200x8x32x8x128xf32, #tpu.memory_space<hbm>> -> memref<1x8x1x8x128xf32, #tpu.memory_space<hbm>>
    %dma_wait3A_74 = tpu.memref_squeeze %dma_wait3A_73 : memref<1x8x1x8x128xf32, #tpu.memory_space<hbm>> -> memref<8x8x128xf32, #tpu.memory_space<hbm>>
    %dma_wait3A_75 = arith.constant 0 : i32
    %dma_wait3A_76 = arith.constant 0 : i32
    %dma_wait3A_77 = arith.constant 0 : i32
    %dma_wait3A_78 = tpu.memref_slice %arg8[%dma_wait3A_75, %dma_wait3A_76, %dma_wait3A_77] : memref<8x8x129xf32, #tpu.memory_space<vmem>> -> memref<8x8x128xf32, #tpu.memory_space<vmem>>
    tpu.wait_dma2 semaphore(%arg12 : memref<!tpu.dma_semaphore, #tpu.memory_space<semaphore_mem>>) src(%dma_wait3A_78 : memref<8x8x128xf32, #tpu.memory_space<vmem>>) dst(%dma_wait3A_74 : memref<8x8x128xf32, #tpu.memory_space<hbm>>)
    %dma_wait3A_79 = arith.constant 0 : i32
    %dma_wait3A_80 = arith.constant 0 : i32
    %dma_wait3A_81 = arith.constant 0 : i32
    %dma_wait3A_82 = arith.constant 0 : i32
    %dma_wait3A_83 = arith.constant 0 : i32
    %dma_wait3A_84 = tpu.memref_slice %arg9[%dma_wait3A_81, %dma_wait3A_82, %dma_wait3A_83] : memref<8x8x129xf32, #tpu.memory_space<vmem>> -> memref<8x8x128xf32, #tpu.memory_space<vmem>>
    %dma_wait3A_85 = arith.constant 0 : i32
    %dma_wait3A_86 = arith.constant 0 : i32
    %dma_wait3A_87 = arith.constant 0 : i32
    %dma_wait3A_88 = tpu.memref_slice %arg4[%dma_wait3A_79, %dma_wait3A_85, %dma_wait3A_80, %dma_wait3A_86, %dma_wait3A_87] : memref<200x8x32x8x128xf32, #tpu.memory_space<hbm>> -> memref<1x8x1x8x128xf32, #tpu.memory_space<hbm>>
    %dma_wait3A_89 = tpu.memref_squeeze %dma_wait3A_88 : memref<1x8x1x8x128xf32, #tpu.memory_space<hbm>> -> memref<8x8x128xf32, #tpu.memory_space<hbm>>
    %dma_wait3A_90 = arith.constant 0 : i32
    %dma_wait3A_91 = arith.constant 0 : i32
    %dma_wait3A_92 = arith.constant 0 : i32
    %dma_wait3A_93 = tpu.memref_slice %arg4[%dma_wait3A_79, %dma_wait3A_90, %dma_wait3A_80, %dma_wait3A_91, %dma_wait3A_92] : memref<200x8x32x8x128xf32, #tpu.memory_space<hbm>> -> memref<1x8x1x8x128xf32, #tpu.memory_space<hbm>>
    %dma_wait3A_94 = tpu.memref_squeeze %dma_wait3A_93 : memref<1x8x1x8x128xf32, #tpu.memory_space<hbm>> -> memref<8x8x128xf32, #tpu.memory_space<hbm>>
    %dma_wait3A_95 = arith.constant 0 : i32
    %dma_wait3A_96 = arith.constant 0 : i32
    %dma_wait3A_97 = arith.constant 0 : i32
    %dma_wait3A_98 = tpu.memref_slice %arg9[%dma_wait3A_95, %dma_wait3A_96, %dma_wait3A_97] : memref<8x8x129xf32, #tpu.memory_space<vmem>> -> memref<8x8x128xf32, #tpu.memory_space<vmem>>
    tpu.wait_dma2 semaphore(%arg13 : memref<!tpu.dma_semaphore, #tpu.memory_space<semaphore_mem>>) src(%dma_wait3A_98 : memref<8x8x128xf32, #tpu.memory_space<vmem>>) dst(%dma_wait3A_94 : memref<8x8x128xf32, #tpu.memory_space<hbm>>)
    return
  }
}

</mosaic_0001>

<sc_bundles>
// kernel: kernel.3.cloned.1.call-start
scs
__scs_entry_jumppad:
0x0: {  	(pc) =	sbr.rel $0x88, $3  }
0x1: {  	(tag) =	ssettag $0x0;
	lr =	simm.s32 $0x1  }
0x2: {  	[smem:$0x3F9F] =	sst lr;
	_ =	strace $0xD0000000  }
0x3: {  	_ = 	snop  }
0x4: {  	_ = 	snop  }
0x5: {  	_ = 	snop  }
0x6: {  	_ = 	snop  }
0x7: {  	_ = 	snop  }
__scs_overlays_trampoline_lowered:
0x8: {  	[smem:$0x3FAE] =	sst s0  }
0x9: {  	[smem:$0x3FAF] =	sst s1  }
0xa: {  	[smem:$0x3FB0] =	sst s2  }
0xb: {  	[smem:$0x3FB1] =	sst s3  }
0xc: {  	[smem:$0x3FB2] =	sst s4  }
0xd: {  	[smem:$0x3FB3] =	sst s5  }
0xe: {  	[smem:$0x3FB4] =	sst s6  }
0xf: {  	[smem:$0x3FB5] =	sst s7  }
0x10: {  	[smem:$0x3FB6] =	sst s8  }
0x11: {  	[smem:$0x3FB7] =	sst s9;
	s0 =	simm.s32 @!p0 $0x0  }
0x12: {  	s1 =	sld [smem:$0x3F9D];
	s0 =	simm.s32 @p0 $0x1  }
0x13: {  	[smem:$0x3FB8] =	sst s0;
	s0 =	simm.s32 @!p1 $0x0  }
0x14: {  	s2 =	sld [smem:$0x3F9C];
	s0 =	simm.s32 @p1 $0x1  }
0x15: {  	[smem:$0x3FB9] =	sst s0;
	s0 =	simm.s32 @!p2 $0x0  }
0x16: {  	s3 =	sld [smem:$0x3FDB];
	s0 =	simm.s32 @p2 $0x1  }
0x17: {  	s4 =	simm.s32 $0x1BF5;
	[smem:$0x3FBB] =	sst s0  }
0x18: {  	s0 =	sld [smem:$0x3F9E];
	_ =	swait.ge [sflag:s4], $0x0  }
0x19: {  	s7 =	sld [smem:$0x3F9F]  }
0x1a: {  	s8 =	sadd.s32 $0xFFFFE003, lr  }
0x1b: {  	s9 =	sadd.s32 $0xFFFFFEF7, lr;
	s5 =	simm.s32 $0xFFFFFFFF;
	p2 =	slt.u32 s8, $0xFFFFF086  }
0x1c: {  	p1 =	slt.u32 s9, $0xF7A;
	s5 =	simm.s32 @!p2 $0x0  }
0x1d: {  	s5 =	simm.s32 @p1 $0x1;
	p0 =	seq.s32 s7, s2  }
0x1e: {  	s7 =	smul.u32 @!p0 $0xF7A, s2;
	p2 =	seq.s32 @!p0 s5, $0x0  }
0x1f: {  	s9 =	smul.u32 $0xF7A, s1;
	s8 =	simm.s32 @!p0 $0x1BF5;
	p2 =	por !p2, p0  }
0x20: {  	[sflag:s8] =	ssyncset.s32 @!p0 $0xFFFFF086;
	s6 =	sadd.s32 @!p0 s3, s7;
	s7 =	simm.s32 @!p0 $0x108  }
0x21: {  	s3 =	sadd.s32 s3, s9;
	s6 =	sadd.s32 @!p0 $0x88, s6;
	s7 =	simm.s32 @p2 $0x1082  }
0x22: {  	[simem:s7], [sflag:s8] =	dma.local @!p0 [hbm:s6], $0xF7A  }
0x23: {  	s9 =	sor.u32 $0xD0000000, s2;
	s6 =	simm.s32 $0x108;
	_ =	swait.ge @!p0 [sflag:s8], $0x0  }
0x24: {  	s3 =	sadd.s32 $0x88, s3;
	s6 =	simm.s32 @!p1 $0x1082;
	[sflag:s4] =	ssyncset.s32 $0xFFFFF086  }
0x25: {  	[simem:s6], [sflag:s4] =	dma.local [hbm:s3], $0xF7A  }
0x26: {  	[smem:$0x3F9F] =	sst s1;
	(tag) =	ssettag s2;
	_ =	strace s9  }
0x27: {  	s1 =	sld [smem:$0x3FAF]  }
0x28: {  	s2 =	sld [smem:$0x3FB0]  }
0x29: {  	s4 =	sld [smem:$0x3FB2]  }
0x2a: {  	p0 =	seq.s32 s5, $0x0;
	s5 =	sld [smem:$0x3FB3]  }
0x2b: {  	s6 =	sld [smem:$0x3FB4]  }
0x2c: {  	s7 =	sld [smem:$0x3FB5]  }
0x2d: {  	s3 =	simm.s32 $0x108;
	s8 =	sld [smem:$0x3FB6]  }
0x2e: {  	s3 =	simm.s32 @!p0 $0x1082;
	s9 =	sld [smem:$0x3FB7]  }
0x2f: {  	lr =	sadd.s32 s0, s3;
	s0 =	sld [smem:$0x3FAE]  }
0x30: {  	s3 =	sld [smem:$0x3FB1]  }
0x31: {  	[smem:$0x3FBA] =	sst s10  }
0x32: {  	s10 =	sld [smem:$0x3FB8];
	_ =	sdelay $0x3  }
0x33: {  	p0 =	seq.s32 s10, $0x1;
	s10 =	sld [smem:$0x3FBA];
	_ =	sdelay $0x3  }
0x34: {  	[smem:$0x3FBA] =	sst s10  }
0x35: {  	s10 =	sld [smem:$0x3FB9];
	_ =	sdelay $0x3  }
0x36: {  	p1 =	seq.s32 s10, $0x1;
	s10 =	sld [smem:$0x3FBA];
	_ =	sdelay $0x3  }
0x37: {  	[smem:$0x3FBA] =	sst s10  }
0x38: {  	s10 =	sld [smem:$0x3FBB]  }
0x39: {  	_ = 	snop;
	(pc) =	sbr.ind lr, $3  }
0x3a: {  	_ = 	snop  }
0x3b: {  	_ = 	snop  }
0x3c: {  	p2 =	seq.s32 s10, $0x1;
	s10 =	sld [smem:$0x3FBA]  }
0x3d: {  	_ =	shalt  }
0x3e: {  	_ =	shalt  }
0x3f: {  	_ =	shalt  }
0x40: {  	_ =	shalt  }
0x41: {  	_ =	shalt  }
0x42: {  	_ =	shalt  }
0x43: {  	_ =	shalt  }
0x44: {  	_ =	shalt  }
0x45: {  	_ =	shalt  }
0x46: {  	_ =	shalt  }
0x47: {  	_ =	shalt  }
0x48: {  	_ =	shalt  }
0x49: {  	_ =	shalt  }
0x4a: {  	_ =	shalt  }
0x4b: {  	_ =	shalt  }
0x4c: {  	_ =	shalt  }
0x4d: {  	_ =	shalt  }
0x4e: {  	_ =	shalt  }
0x4f: {  	_ =	shalt  }
0x50: {  	_ =	shalt  }
0x51: {  	_ =	shalt  }
0x52: {  	_ =	shalt  }
0x53: {  	_ =	shalt  }
0x54: {  	_ =	shalt  }
0x55: {  	_ =	shalt  }
0x56: {  	_ =	shalt  }
0x57: {  	_ =	shalt  }
0x58: {  	_ =	shalt  }
0x59: {  	_ =	shalt  }
0x5a: {  	_ =	shalt  }
0x5b: {  	_ =	shalt  }
0x5c: {  	_ =	shalt  }
0x5d: {  	_ =	shalt  }
0x5e: {  	_ =	shalt  }
0x5f: {  	_ =	shalt  }
0x60: {  	_ =	shalt  }
0x61: {  	_ =	shalt  }
0x62: {  	_ =	shalt  }
0x63: {  	_ =	shalt  }
0x64: {  	_ =	shalt  }
0x65: {  	_ =	shalt  }
0x66: {  	_ =	shalt  }
0x67: {  	_ =	shalt  }
0x68: {  	_ =	shalt  }
0x69: {  	_ =	shalt  }
0x6a: {  	_ =	shalt  }
0x6b: {  	_ =	shalt  }
0x6c: {  	_ =	shalt  }
0x6d: {  	_ =	shalt  }
0x6e: {  	_ =	shalt  }
0x6f: {  	_ =	shalt  }
0x70: {  	_ =	shalt  }
0x71: {  	_ =	shalt  }
0x72: {  	_ =	shalt  }
0x73: {  	_ =	shalt  }
0x74: {  	_ =	shalt  }
0x75: {  	_ =	shalt  }
0x76: {  	_ =	shalt  }
0x77: {  	_ =	shalt  }
0x78: {  	_ =	shalt  }
0x79: {  	_ =	shalt  }
0x7a: {  	_ =	shalt  }
0x7b: {  	_ =	shalt  }
0x7c: {  	_ =	shalt  }
0x7d: {  	_ =	shalt  }
0x7e: {  	_ =	shalt  }
0x7f: {  	_ =	shalt  }
0x80: {  	_ =	shalt  }
0x81: {  	_ =	shalt  }
0x82: {  	_ =	shalt  }
0x83: {  	_ =	shalt  }
0x84: {  	_ =	shalt  }
0x85: {  	_ =	shalt  }
0x86: {  	_ =	shalt  }
0x87: {  	_ =	shalt  }
.Lfunc_end0:
.L_simem_size_0:
called_computation_lowered:
.L_overlay_start_0:
0x88: {  	s2 =	sld [smem:$0x3FD9]  }
0x89: {  	s3 =	sld [smem:$0x3FFE];
	_ =	sdelay $0x1  }
0x8a: {  	s1 =	srdreg.scid  }
0x8b: {  	s0 =	sand.u32 $0x1, s1  }
0x8c: {  	s17 =	sshll.u32 s0, $0xA;
	s2 =	sadd.s32 s3, s2  }
0x8d: {  	s2 =	sadd.s32 s2, s17  }
0x8e: {  	[smem:$0x3FC6] =	sst s2  }
0x8f: {  	_ = 	snop  }
0x90: {  	s2 =	sld [smem:$0x3FC9]  }
0x91: {  	s18 =	sld [smem:$0x3FD0];
	(tm) =	ssettm $0x1  }
0x92: {  	s4 =	sld [smem:$0x3FFB];
	_ =	sdelay $0x3  }
0x93: {  	_ =	strace s4  }
0x94: {  	s4 =	sld [smem:$0x3FFC];
	_ =	sdelay $0x3  }
0x95: {  	_ =	strace s4  }
0x96: {  	s4 =	sld [smem:$0x3FFD];
	_ =	sdelay $0x3  }
0x97: {  	_ =	strace s4  }
0x98: {  	_ =	strace $0x8FFFFFFF  }
0x99: {  	s19 =	sld [smem:$0x3FDB];
	_ =	sdelay $0x1  }
0x9a: {  	s5 =	simm.s32 $_scs_section_size  }
0x9b: {  	s6 =	simm.s32 $_size__tile_overlayer_lowered;
	s7 =	simm.s32 $_tile_overlayer_lowered  }
0x9c: {  	s22 =	simm.s32 $0x1BFF;
	s21 =	sshll.u32 s7, $0x1;
	s4 =	sadd.s32 s5, s19  }
0x9d: {  	s8 =	simm.s32 $0x0;
	s20 =	sshll.u32 s6, $0x1;
	s6 =	sadd.s32 s21, s4  }
0x9e: {  	[timem:s8], [sflag:s22] =	dma.local [hbm:s6], s20  }
0x9f: {  	_ =	swait.ge [sflag:s22], s20  }
0xa0: {  	s5 =	ssub.s32 $0x0, s20;
	[sflag:s22] =	ssyncset.done $0x0  }
0xa1: {  	[sflag:s22] =	ssyncadd.s32 s5;
	_ =	sdelay $0x1  }
0xa2: {  	s23 =	simm.s32 $0x1B8B  }
0xa3: {  	_ =	swait.ge [sflag:s23], $0x1  }
0xa4: {  	[sflag:s23] =	ssyncset.done $0x0  }
0xa5: {  	s25 =	simm.s32 $0x1B8E;
	s24 =	sld [smem:$0x3FFE];
	[sflag:s23] =	ssyncadd.s32 $0xFFFFFFFF  }
0xa6: {  	s26 =	simm.s32 $execute0_lowered;
	[smem:$0x3FD2] =	sst s25  }
0xa7: {  	s6 =	sshll.u32 s26, $0x1;
	_ =	strace $0x80000046;
	[dreg:$0x1] =	wrdreg $0xFFFFFFFF  }
0xa8: {  	s28 =	simm.s32 $_size_execute0_lowered;
	s4 =	sadd.s32 s4, s6;
	[dreg:$0x0] =	wrdreg $0x0  }
0xa9: {  	s6 =	sshll.u32 s28, $0x1;
	[dreg:$0x2] =	wrdreg s4  }
0xaa: {  	[dreg:$0x3] =	wrdreg s6  }
0xab: {  	[dreg:$0x4] =	wrdreg $0xC0  }
0xac: {  	_ =	task [dreg:s8], $0x5FFFF  }
0xad: {  	[dreg:$0x1] =	wrdreg $0xFFFFFFFF  }
0xae: {  	[dreg:$0x0] =	wrdreg $0x60  }
0xaf: {  	[dreg:$0x2] =	wrdreg s2  }
0xb0: {  	[dreg:$0x3] =	wrdreg s24  }
0xb1: {  	[dreg:$0x4] =	wrdreg s18  }
0xb2: {  	[dreg:$0x5] =	wrdreg $0x9  }
0xb3: {  	_ =	task.clear_ibuf [dreg:s8], $0x6FFFF;
	_ =	strace $0x90000046  }
0xb4: {  	s29 =	simm.s32 $0x9;
	_ =	strace $0x80000048  }
0xb5: {  	_ =	swait.ge [sflag:s29], $0x1  }
0xb6: {  	[sflag:s29] =	ssyncadd.s32 $0xFFFFFFFF  }
0xb7: {  	_ =	strace $0x90000048  }
0xb8: {  	_ =	sfence  }
0xb9: {  	s30 =	sld [smem:$0x0];
	_ =	sdelay $0x2  }
0xba: {  	s31 =	sshll.u32 s1, $0xD;
	s1 =	sshrl.u32 s1, $0x2  }
0xbb: {  	s3 =	sand.u32 $0x4000, s31;
	s1 =	sadd.s32 s1, s30  }
0xbc: {  	s0 =	sor.u32 s3, s0;
	s1 =	sshll.u32 s1, $0x11  }
0xbd: {  	s0 =	sor.u32 s1, s0  }
0xbe: {  	s0 =	sadd.s32 $0x8F2B, s0  }
0xbf: {  	[sflag:s0] =	ssyncadd.remote.s32 $0x1  }
0xc0: {  	_ =	sfence.sel $0xFFFF  }
0xc1: {  	[dreg:$0x0] =	wrdreg $0xFFFFFFFF;
	(pc) =	sbr.abs _section_cstart, $3  }
0xc2: {  	[dreg:$0x1] =	wrdreg $0xFFFFFFFF  }
0xc3: {  	_ =	task.clear_ibuf [dreg:s8], $0x2FFFF;
	_ =	strace $0x9FFFFFFF  }
0xc4: {  	(tm) =	ssettm $0x7FFFFFFF  }
0xc5: {  	_ =	shalt  }
tec
execute0_lowered:
.L_overlay_start_1:
0x0: {  	(tag) =	ssettag $0x1  }
0x1: {  	v0 =	vlaneseq.u32  }
0x2: {  	v0 =	vmul.u32 $0x88, v0  }
0x3: {  	s5 =	rddreg [dreg:$0x0];
	v1 =	vimm.s32 $0x0;
	vm0 =	vcmask $0x300  }
0x4: {  	s4 =	rddreg [dreg:$0x1];
	v1 =	vsel vm0, $0x3, v1;
	v2 =	vadd.s32 $0x880, v0  }
0x5: {  	s1 =	srdreg.scid;
	s0 =	stileid.u32;
	v3 =	vadd.s32 $0x1100, v0;
	v4 =	vadd.s32 $0x1980, v0;
	v5 =	vor.u32 $0x1, v0  }
0x6: {  	s2 =	rddreg [dreg:$0x2];
	s3 =	simm.s32 $0x0;
	s10 =	simm.s32 $0x6400;
	v6 =	vadd.s32 $0x881, v0;
	v7 =	vadd.s32 $0x1101, v0;
	v8 =	vadd.s32 $0x1981, v0  }
0x7: {  	s11 =	simm.s32 $0x1;
	s12 =	simm.s32 $0x8400;
	s13 =	simm.s32 $0xA400;
	v9 =	vor.u32 $0x2, v0;
	v10 =	vadd.s32 $0x882, v0;
	v11 =	vadd.s32 $0x1102, v0  }
0x8: {  	s14 =	simm.s32 $0x2;
	s15 =	simm.s32 $0xC600;
	s16 =	simm.s32 $0x3;
	v12 =	vadd.s32 $0x1982, v0;
	v13 =	vor.u32 $0x3, v0;
	v14 =	vadd.s32 $0x883, v0  }
0x9: {  	s17 =	simm.s32 $0x4;
	s6 =	sand.u32 $0x1, s1;
	s7 =	sshll.u32 s0, $0x1;
	v15 =	vadd.s32 $0x1103, v0;
	v16 =	vadd.s32 $0x1983, v0;
	v17 =	vor.u32 $0x4, v0  }
0xa: {  	s18 =	simm.s32 $0x0;
	s1 =	rddreg [dreg:$0x3];
	s7 =	sor.u32 s6, s7;
	v18 =	vadd.s32 $0x884, v0;
	v19 =	vadd.s32 $0x1104, v0;
	v20 =	vadd.s32 $0x1984, v0  }
0xb: {  	[smem:$0x7FF] =	sst s3;
	s6 =	ssub.s32 $0x2, s6;
	s8 =	smul.u32 $0xC80, s7;
	v21 =	vor.u32 $0x5, v0;
	v22 =	vadd.s32 $0x885, v0;
	v23 =	vadd.s32 $0x1105, v0  }
0xc: {  	s4 =	sadd.s32 $0xF42800, s4;
	_ =	strace $0x80000047;
	s9 =	sshrl.u32 s6, $0x1;
	v24 =	vadd.s32 $0x1985, v0;
	v25 =	vor.u32 $0x6, v0;
	v26 =	vadd.s32 $0x886, v0  }
0xd: {  	v27 =	vadd.s32 $0x1106, v0;
	v28 =	vadd.s32 $0x1986, v0;
	v29 =	vor.u32 $0x7, v0;
	s9 =	ssub.s32 s6, s9;
	s6 =	smul.u32 $0xC8, s7;
	s5 =	sadd.s32 s5, s8  }
0xe: {  	v30 =	vadd.s32 $0x887, v0;
	v31 =	vadd.s32 $0x1107, v0;
	v32 =	vadd.s32 $0x1987, v0;
	s7 =	smax.u32 s9, $0x1;
	s8 =	simm.s32 $0x5;
	s9 =	simm.s32 $0x80  }
.LBB2_1:
0xf: {  	[tilespmem:s3], [sflag:$0x5] =	stream.linear.gather [hbm4b:s5+s3], $0x6400, $0x38;
	[tilespmem:$0xE800] =	vst v63  }
0x10: {  	_ =	swait.ge [sflag:s8], $0x6400  }
0x11: {  	[sflag:s8] =	ssyncset.done $0x0  }
0x12: {  	s19 =	simm.s32 $0x0;
	[sflag:s8] =	ssyncadd.s32 $0xFFFF9C00  }
0x13: {  	[tilespmem:s10], [sflag:$0x1] =	stream.indirect.gather [hbm4b:s4+s9], $0x40, s3, s9, $0xb8;
	[tilespmem:$0xE800] =	vst v63  }
.LBB2_2:
0x14: {  	_ =	swait.ge [sflag:s11], $0x2000  }
0x15: {  	s20 =	sshllo.u32 s19, $0x1;
	s26 =	simm.s32 $0x0;
	s28 =	simm.s32 $0x1  }
0x16: {  	s22 =	simm.s32 $0x2;
	s29 =	simm.s32 $0x3;
	s30 =	simm.s32 $0x4  }
0x17: {  	s23 =	simm.s32 $0x7;
	p0 =	seq.s32 s19, $0x0;
	s31 =	simm.s32 $0x5;
	v33 =	vmov s26;
	v34 =	vmov s28;
	v35 =	vmov s22  }
0x18: {  	[sflag:s11] =	ssyncset.done $0x0;
	s21 =	sshll.u32 s20, $0x7;
	v36 =	vmov s29;
	v37 =	vmov s30;
	v38 =	vmov s23;
	s22 =	simm.s32 @!p0 $0x3  }
0x19: {  	v39 =	vmov s31;
	s23 =	simm.s32 $0x6;
	[sflag:s11] =	ssyncadd.s32 $0xFFFFE000;
	s21 =	sand.u32 $0x3FFFFF80, s21;
	v33 =	vshrl.u32 v33, $0x3;
	v38 =	vshrl.u32 v38, $0x3  }
0x1a: {  	v40 =	vmov s23;
	v34 =	vshrl.u32 v34, $0x3;
	v35 =	vshrl.u32 v35, $0x3;
	[tilespmem:s12], [sflag:$0x2] =	stream.indirect.gather [hbm4b:s4+s9], $0x40, s21, s9, $0xb8;
	[tilespmem:$0xE800] =	vst v63  }
0x1b: {  	v36 =	vshrl.u32 v36, $0x3;
	v37 =	vshrl.u32 v37, $0x3;
	v38 =	vshll.u32 v38, v1;
	_ =	swait.ge @!p0 [sflag:s22], $0x2000  }
0x1c: {  	v55 =	vshrl.u32 v39, $0x3;
	v33 =	vshll.u32 v33, v1;
	v38 =	vbroadcast v38, $0x0;
	[sflag:s22] =	ssyncset.done @!p0 $0x0  }
0x1d: {  	v34 =	vshll.u32 v34, v1;
	v51 =	vshll.u32 v35, v1;
	v33 =	vbroadcast v33, $0x0;
	[sflag:s22] =	ssyncadd.s32 @!p0 $0xFFFFE000;
	s22 =	simm.s32 $0x6500  }
0x1e: {  	v52 =	vshll.u32 v36, v1;
	v47 =	vbroadcast v34, $0x0;
	v42 =	vadd.s32 v29, v38;
	v41 =	vld [tilespmem:s22+$0xC0]  }
0x1f: {  	v54 =	vshll.u32 v37, v1;
	v53 =	vbroadcast v51, $0x0;
	v44 =	vadd.s32 v0, v33;
	v43 =	vld [tilespmem:s22+$0xFFFFFF00]  }
0x20: {  	v36 =	vshll.u32 v55, v1;
	v35 =	vbroadcast v52, $0x0;
	v46 =	vadd.s32 v5, v47;
	v45 =	vld [tilespmem:s22+$0xFFFFFF40]  }
0x21: {  	v40 =	vshrl.u32 v40, $0x3;
	v34 =	vbroadcast v54, $0x0;
	v49 =	vadd.s32 v9, v53;
	v48 =	vld [tilespmem:s22+$0xFFFFFF80]  }
0x22: {  	v37 =	vbroadcast v36, $0x0;
	v56 =	vshll.u32 v40, v1;
	v50 =	vadd.s32 v13, v35;
	v39 =	vld [tilespmem:s22+$0xFFFFFFC0]  }
0x23: {  	v36 =	vbroadcast v56, $0x0;
	v52 =	vadd.s32 v17, v34;
	v51 =	vld [tilespmem:s22+$0x0];
	[tilespmem:v42+s13+$0x0] =	vst.idx.msk $0xffff, v41  }
0x24: {  	v60 =	vadd.s32 v21, v37;
	v59 =	vld [tilespmem:s22+$0x40];
	[tilespmem:v44+s13+$0x0] =	vst.idx.msk $0xffff, v43  }
0x25: {  	v61 =	vld [tilespmem:s22+$0x80];
	v62 =	vadd.s32 v25, v36;
	[tilespmem:v46+s13+$0x0] =	vst.idx.msk $0xffff, v45  }
0x26: {  	v58 =	vadd.s32 v30, v38;
	[tilespmem:v49+s13+$0x0] =	vst.idx.msk $0xffff, v48;
	v57 =	vld [tilespmem:s22+$0xD0]  }
0x27: {  	v63 =	vadd.s32 v6, v47;
	[tilespmem:v50+s13+$0x0] =	vst.idx.msk $0xffff, v39;
	v46 =	vld [tilespmem:s22+$0xFFFFFF50]  }
0x28: {  	v55 =	vadd.s32 v10, v53;
	[tilespmem:v52+s13+$0x0] =	vst.idx.msk $0xffff, v51;
	v54 =	vld [tilespmem:s22+$0xFFFFFF90]  }
0x29: {  	v56 =	vadd.s32 v14, v35;
	[tilespmem:v60+s13+$0x0] =	vst.idx.msk $0xffff, v59;
	v50 =	vld [tilespmem:s22+$0xFFFFFFD0]  }
0x2a: {  	[tilespmem:v62+s13+$0x0] =	vst.idx.msk $0xffff, v61;
	v45 =	vadd.s32 v22, v37;
	v44 =	vld [tilespmem:s22+$0x50]  }
0x2b: {  	v59 =	vadd.s32 v18, v34;
	[tilespmem:v58+s13+$0x0] =	vst.idx.msk $0xffff, v57;
	v58 =	vld [tilespmem:s22+$0x10]  }
0x2c: {  	v57 =	vadd.s32 v31, v38;
	[tilespmem:v63+s13+$0x0] =	vst.idx.msk $0xffff, v46;
	v40 =	vld [tilespmem:s22+$0xE0]  }
0x2d: {  	v60 =	vadd.s32 v26, v36;
	[tilespmem:v55+s13+$0x0] =	vst.idx.msk $0xffff, v54;
	v63 =	vld [tilespmem:s22+$0x90]  }
0x2e: {  	v62 =	vadd.s32 v2, v33;
	v61 =	vld [tilespmem:s22+$0xFFFFFF10];
	[tilespmem:v56+s13+$0x0] =	vst.idx.msk $0xffff, v50  }
0x2f: {  	v51 =	vadd.s32 v7, v47;
	[tilespmem:v45+s13+$0x0] =	vst.idx.msk $0xffff, v44;
	v50 =	vld [tilespmem:s22+$0xFFFFFF60]  }
0x30: {  	v56 =	vadd.s32 v11, v53;
	v55 =	vld [tilespmem:s22+$0xFFFFFFA0];
	[tilespmem:v59+s13+$0x0] =	vst.idx.msk $0xffff, v58  }
0x31: {  	v58 =	vadd.s32 v15, v35;
	[tilespmem:v57+s13+$0x0] =	vst.idx.msk $0xffff, v40;
	v57 =	vld [tilespmem:s22+$0xFFFFFFE0]  }
0x32: {  	[tilespmem:v60+s13+$0x0] =	vst.idx.msk $0xffff, v63;
	v60 =	vadd.s32 v19, v34;
	v59 =	vld [tilespmem:s22+$0x20]  }
0x33: {  	s25 =	simm.s32 $0x9;
	v38 =	vadd.s32 v32, v38;
	[tilespmem:v62+s13+$0x0] =	vst.idx.msk $0xffff, v61;
	v54 =	vld [tilespmem:s22+$0xF0]  }
0x34: {  	s24 =	simm.s32 $0x8;
	v41 =	vadd.s32 v23, v37;
	v52 =	vmov s25;
	[tilespmem:v51+s13+$0x0] =	vst.idx.msk $0xffff, v50;
	v40 =	vld [tilespmem:s22+$0x60]  }
0x35: {  	s28 =	simm.s32 $0xB;
	s29 =	simm.s32 $0xC;
	v43 =	vadd.s32 v27, v36;
	v48 =	vadd.s32 v3, v33;
	v63 =	vmov s24;
	v42 =	vld [tilespmem:s22+$0xA0];
	[tilespmem:v56+s13+$0x0] =	vst.idx.msk $0xffff, v55  }
0x36: {  	s31 =	simm.s32 $0xE;
	v44 =	vmov s28;
	v46 =	vmov s29;
	v45 =	vld [tilespmem:s22+$0xFFFFFF20];
	v39 =	vshrl.u32 v63, $0x3;
	[tilespmem:v58+s13+$0x0] =	vst.idx.msk $0xffff, v57  }
0x37: {  	s26 =	simm.s32 $0xA;
	s30 =	simm.s32 $0xD;
	v51 =	vadd.s32 v8, v47;
	v49 =	vld [tilespmem:s22+$0xFFFFFF70];
	v47 =	vshll.u32 v39, v1;
	v39 =	vmov s31;
	[tilespmem:v60+s13+$0x0] =	vst.idx.msk $0xffff, v59  }
0x38: {  	s23 =	simm.s32 $0x10;
	s21 =	sshll.u32 s19, $0x1;
	v53 =	vadd.s32 v12, v53;
	s24 =	simm.s32 $0xF;
	v50 =	vld [tilespmem:s22+$0xFFFFFFB0];
	[tilespmem:v38+s13+$0x0] =	vst.idx.msk $0xffff, v54;
	v54 =	vmov s26;
	v38 =	vmov s30  }
.LBB2_3:
0x39: {  	p0 =	slt.u32 s23, $0x78;
	v52 =	vshrl.u32 v52, $0x3;
	v55 =	vmov s24;
	v56 =	vld [tilespmem:s22+$0xFFFFFFF0];
	v35 =	vadd.s32 v16, v35;
	[tilespmem:v41+s13+$0x0] =	vst.idx.msk $0xffff, v40  }
0x3a: {  	v40 =	vshrl.u32 v54, $0x3;
	v34 =	vadd.s32 v20, v34;
	v41 =	vshrl.u32 v55, $0x3;
	v54 =	vld [tilespmem:s22+$0x30];
	[tilespmem:v43+s13+$0x0] =	vst.idx.msk $0xffff, v42  }
0x3b: {  	v37 =	vadd.s32 v24, v37;
	v42 =	vshrl.u32 v44, $0x3;
	v41 =	vshll.u32 v41, v1;
	[tilespmem:v48+s13+$0x0] =	vst.idx.msk $0xffff, v45;
	v43 =	vld [tilespmem:s22+$0x70]  }
0x3c: {  	v36 =	vadd.s32 v28, v36;
	v44 =	vshrl.u32 v46, $0x3;
	v41 =	vbroadcast v41, $0x0;
	[tilespmem:v51+s13+$0x0] =	vst.idx.msk $0xffff, v49;
	v45 =	vld [tilespmem:s22+$0xB0]  }
0x3d: {  	v46 =	vshll.u32 v52, v1;
	v49 =	vadd.s32 v4, v33;
	v33 =	vbroadcast v47, $0x0;
	v48 =	vld [tilespmem:s22+$0xFFFFFF30];
	[tilespmem:v53+s13+$0x0] =	vst.idx.msk $0xffff, v50;
	s22 =	sadd.s32 $0x200, s22  }
0x3e: {  	v40 =	vshll.u32 v40, v1;
	v47 =	vbroadcast v46, $0x0;
	v46 =	vld [tilespmem:s22+$0xC0];
	v50 =	vadd.s32 v29, v41;
	[tilespmem:v35+s13+$0x0] =	vst.idx.msk $0xffff, v56  }
0x3f: {  	v53 =	vbroadcast v40, $0x0;
	v52 =	vadd.s32 v0, v33;
	v35 =	vshll.u32 v42, v1;
	v51 =	vld [tilespmem:s22+$0xFFFFFF00];
	[tilespmem:v34+s13+$0x0] =	vst.idx.msk $0xffff, v54  }
0x40: {  	v42 =	vadd.s32 v5, v47;
	v35 =	vbroadcast v35, $0x0;
	v34 =	vshll.u32 v44, v1;
	v40 =	vld [tilespmem:s22+$0xFFFFFF40];
	[tilespmem:v37+s13+$0x0] =	vst.idx.msk $0xffff, v43  }
0x41: {  	v44 =	vadd.s32 v9, v53;
	v34 =	vbroadcast v34, $0x0;
	v37 =	vshrl.u32 v38, $0x3;
	v43 =	vld [tilespmem:s22+$0xFFFFFF80];
	[tilespmem:v36+s13+$0x0] =	vst.idx.msk $0xffff, v45  }
0x42: {  	v39 =	vshrl.u32 v39, $0x3;
	v45 =	vadd.s32 v13, v35;
	v36 =	vshll.u32 v37, v1;
	v38 =	vld [tilespmem:s22+$0xFFFFFFC0];
	[tilespmem:v49+s13+$0x0] =	vst.idx.msk $0xffff, v48  }
0x43: {  	v49 =	vadd.s32 v17, v34;
	v37 =	vbroadcast v36, $0x0;
	v36 =	vshll.u32 v39, v1;
	v48 =	vld [tilespmem:s22+$0x0];
	[tilespmem:v50+s13+$0x0] =	vst.idx.msk $0xffff, v46  }
0x44: {  	v36 =	vbroadcast v36, $0x0;
	v46 =	vadd.s32 v30, v41;
	[tilespmem:v52+s13+$0x0] =	vst.idx.msk $0xffff, v51;
	v39 =	vld [tilespmem:s22+$0xD0]  }
0x45: {  	[tilespmem:v42+s13+$0x0] =	vst.idx.msk $0xffff, v40;
	v40 =	vld [tilespmem:s22+$0x40];
	v42 =	vadd.s32 v21, v37  }
0x46: {  	[tilespmem:v44+s13+$0x0] =	vst.idx.msk $0xffff, v43;
	v43 =	vld [tilespmem:s22+$0x80];
	v44 =	vadd.s32 v25, v36  }
0x47: {  	v51 =	vadd.s32 v6, v47;
	v50 =	vld [tilespmem:s22+$0xFFFFFF50];
	[tilespmem:v45+s13+$0x0] =	vst.idx.msk $0xffff, v38  }
0x48: {  	v45 =	vadd.s32 v10, v53;
	v38 =	vld [tilespmem:s22+$0xFFFFFF90];
	[tilespmem:v49+s13+$0x0] =	vst.idx.msk $0xffff, v48  }
0x49: {  	v49 =	vadd.s32 v14, v35;
	v48 =	vld [tilespmem:s22+$0xFFFFFFD0];
	[tilespmem:v46+s13+$0x0] =	vst.idx.msk $0xffff, v39  }
0x4a: {  	[tilespmem:v42+s13+$0x0] =	vst.idx.msk $0xffff, v40;
	v39 =	vld [tilespmem:s22+$0xE0];
	v40 =	vadd.s32 v31, v41  }
0x4b: {  	v46 =	vadd.s32 v18, v34;
	v42 =	vld [tilespmem:s22+$0x10];
	[tilespmem:v44+s13+$0x0] =	vst.idx.msk $0xffff, v43  }
0x4c: {  	v44 =	vadd.s32 v22, v37;
	[tilespmem:v51+s13+$0x0] =	vst.idx.msk $0xffff, v50;
	v43 =	vld [tilespmem:s22+$0x50]  }
0x4d: {  	[tilespmem:v45+s13+$0x0] =	vst.idx.msk $0xffff, v38;
	v38 =	vld [tilespmem:s22+$0x90];
	v45 =	vadd.s32 v26, v36  }
0x4e: {  	v51 =	vadd.s32 v2, v33;
	v50 =	vld [tilespmem:s22+$0xFFFFFF10];
	[tilespmem:v49+s13+$0x0] =	vst.idx.msk $0xffff, v48  }
0x4f: {  	v49 =	vadd.s32 v7, v47;
	v48 =	vld [tilespmem:s22+$0xFFFFFF60];
	[tilespmem:v40+s13+$0x0] =	vst.idx.msk $0xffff, v39  }
0x50: {  	[tilespmem:v46+s13+$0x0] =	vst.idx.msk $0xffff, v42;
	v39 =	vld [tilespmem:s22+$0xF0];
	v46 =	vadd.s32 v32, v41  }
0x51: {  	v56 =	vadd.s32 v11, v53;
	v55 =	vld [tilespmem:s22+$0xFFFFFFA0];
	[tilespmem:v44+s13+$0x0] =	vst.idx.msk $0xffff, v43  }
0x52: {  	v58 =	vadd.s32 v15, v35;
	v57 =	vld [tilespmem:s22+$0xFFFFFFE0];
	[tilespmem:v45+s13+$0x0] =	vst.idx.msk $0xffff, v38  }
0x53: {  	v60 =	vadd.s32 v19, v34;
	[tilespmem:v51+s13+$0x0] =	vst.idx.msk $0xffff, v50;
	v59 =	vld [tilespmem:s22+$0x20]  }
.Ltmp0:
0x54: {  	s24 =	sadd.s32 $0x1, s23;
	v41 =	vadd.s32 v23, v37;
	v38 =	vmov s23;
	[tilespmem:v49+s13+$0x0] =	vst.idx.msk $0xffff, v48;
	v40 =	vld [tilespmem:s22+$0x60];
	(pc) =	sbr.rel @p0 .LBB2_3-.Ltmp0, $4  }
0x55: {  	s25 =	sadd.s32 $0x3, s23;
	v52 =	vmov s24;
	s24 =	sadd.s32 $0x2, s23;
	v43 =	vadd.s32 v27, v36;
	v50 =	vshrl.u32 v38, $0x3;
	v42 =	vld [tilespmem:s22+$0xA0];
	[tilespmem:v46+s13+$0x0] =	vst.idx.msk $0xffff, v39  }
0x56: {  	v54 =	vmov s24;
	s24 =	sadd.s32 $0x4, s23;
	v44 =	vmov s25;
	s25 =	sadd.s32 $0x5, s23;
	v48 =	vadd.s32 v3, v33;
	v45 =	vld [tilespmem:s22+$0xFFFFFF20];
	[tilespmem:v56+s13+$0x0] =	vst.idx.msk $0xffff, v55  }
0x57: {  	v38 =	vmov s25;
	v51 =	vadd.s32 v8, v47;
	v46 =	vmov s24;
	s24 =	sadd.s32 $0x6, s23;
	v49 =	vld [tilespmem:s22+$0xFFFFFF70];
	[tilespmem:v58+s13+$0x0] =	vst.idx.msk $0xffff, v57  }
0x58: {  	v53 =	vadd.s32 v12, v53;
	v47 =	vshll.u32 v50, v1;
	v39 =	vmov s24;
	s24 =	sadd.s32 $0x7, s23;
	s23 =	sadd.s32 $0x8, s23;
	v50 =	vld [tilespmem:s22+$0xFFFFFFB0];
	[tilespmem:v60+s13+$0x0] =	vst.idx.msk $0xffff, v59  }
0x59: {  	_ =	sdelay $0x2  }
0x5a: {  	v52 =	vshrl.u32 v52, $0x3  }
0x5b: {  	v55 =	vmov s24;
	v56 =	vld [tilespmem:s22+$0xFFFFFFF0];
	v35 =	vadd.s32 v16, v35;
	[tilespmem:v41+s13+$0x0] =	vst.idx.msk $0xffff, v40;
	v57 =	vshrl.u32 v54, $0x3  }
0x5c: {  	v59 =	vld [tilespmem:s22+$0x30];
	v34 =	vadd.s32 v20, v34;
	v60 =	vshrl.u32 v44, $0x3;
	v58 =	vshrl.u32 v55, $0x3;
	[tilespmem:v43+s13+$0x0] =	vst.idx.msk $0xffff, v42  }
0x5d: {  	v37 =	vadd.s32 v24, v37;
	v62 =	vshrl.u32 v46, $0x3;
	v61 =	vld [tilespmem:s22+$0x70];
	v41 =	vshll.u32 v58, v1;
	[tilespmem:v48+s13+$0x0] =	vst.idx.msk $0xffff, v45  }
0x5e: {  	v36 =	vadd.s32 v28, v36;
	v46 =	vbroadcast v47, $0x0;
	v63 =	vld [tilespmem:s22+$0xB0];
	v41 =	vbroadcast v41, $0x0;
	[tilespmem:v51+s13+$0x0] =	vst.idx.msk $0xffff, v49  }
0x5f: {  	v33 =	vadd.s32 v4, v33;
	s29 =	sadd.s32 $0x200, s22;
	v38 =	vshrl.u32 v38, $0x3;
	v55 =	vshll.u32 v52, v1;
	v48 =	vld [tilespmem:s22+$0xFFFFFF30];
	[tilespmem:v53+s13+$0x0] =	vst.idx.msk $0xffff, v50  }
0x60: {  	v40 =	vshll.u32 v57, v1;
	v47 =	vbroadcast v55, $0x0;
	v49 =	vld [tilespmem:s29+$0xC0];
	v50 =	vadd.s32 v29, v41;
	[tilespmem:v35+s13+$0x0] =	vst.idx.msk $0xffff, v56  }
0x61: {  	v42 =	vshll.u32 v60, v1;
	v40 =	vbroadcast v40, $0x0;
	v35 =	vld [tilespmem:s29+$0xFFFFFF00];
	v56 =	vadd.s32 v0, v46;
	[tilespmem:v34+s13+$0x0] =	vst.idx.msk $0xffff, v59  }
0x62: {  	v57 =	vld [tilespmem:s29+$0xFFFFFF40];
	v44 =	vshll.u32 v62, v1;
	v42 =	vbroadcast v42, $0x0;
	v58 =	vadd.s32 v5, v47;
	[tilespmem:v37+s13+$0x0] =	vst.idx.msk $0xffff, v61  }
0x63: {  	v38 =	vshll.u32 v38, v1;
	v44 =	vbroadcast v44, $0x0;
	v60 =	vadd.s32 v9, v40;
	v59 =	vld [tilespmem:s29+$0xFFFFFF80];
	[tilespmem:v36+s13+$0x0] =	vst.idx.msk $0xffff, v63  }
0x64: {  	v38 =	vbroadcast v38, $0x0;
	v62 =	vadd.s32 v13, v42;
	v61 =	vld [tilespmem:s29+$0xFFFFFFC0];
	[tilespmem:v33+s13+$0x0] =	vst.idx.msk $0xffff, v48  }
0x65: {  	v39 =	vshrl.u32 v39, $0x3;
	v63 =	vadd.s32 v17, v44;
	v33 =	vld [tilespmem:s29+$0x0];
	[tilespmem:v50+s13+$0x0] =	vst.idx.msk $0xffff, v49  }
0x66: {  	v39 =	vshll.u32 v39, v1;
	v34 =	vld [tilespmem:s29+$0x40];
	[tilespmem:v56+s13+$0x0] =	vst.idx.msk $0xffff, v35;
	v56 =	vadd.s32 v21, v38  }
0x67: {  	[tilespmem:v58+s13+$0x0] =	vst.idx.msk $0xffff, v57;
	v35 =	vbroadcast v39, $0x0;
	v49 =	vadd.s32 v30, v41;
	v39 =	vld [tilespmem:s29+$0xD0]  }
0x68: {  	[tilespmem:v60+s13+$0x0] =	vst.idx.msk $0xffff, v59;
	v59 =	vld [tilespmem:s29+$0xFFFFFF50];
	v60 =	vadd.s32 v6, v47  }
0x69: {  	v57 =	vld [tilespmem:s29+$0x80];
	[tilespmem:v62+s13+$0x0] =	vst.idx.msk $0xffff, v61;
	v58 =	vadd.s32 v25, v35  }
0x6a: {  	v61 =	vld [tilespmem:s29+$0xFFFFFF90];
	v62 =	vadd.s32 v10, v40;
	[tilespmem:v63+s13+$0x0] =	vst.idx.msk $0xffff, v33  }
0x6b: {  	v33 =	vld [tilespmem:s29+$0xFFFFFFD0];
	v63 =	vadd.s32 v14, v42;
	[tilespmem:v56+s13+$0x0] =	vst.idx.msk $0xffff, v34  }
0x6c: {  	v56 =	vadd.s32 v18, v44;
	[tilespmem:v49+s13+$0x0] =	vst.idx.msk $0xffff, v39;
	v49 =	vld [tilespmem:s29+$0x10]  }
0x6d: {  	[tilespmem:v60+s13+$0x0] =	vst.idx.msk $0xffff, v59;
	v39 =	vadd.s32 v31, v41;
	v34 =	vld [tilespmem:s29+$0xE0]  }
0x6e: {  	[tilespmem:v58+s13+$0x0] =	vst.idx.msk $0xffff, v57;
	v57 =	vld [tilespmem:s29+$0x50];
	v58 =	vadd.s32 v22, v38  }
0x6f: {  	[tilespmem:v62+s13+$0x0] =	vst.idx.msk $0xffff, v61;
	v61 =	vld [tilespmem:s29+$0xFFFFFF10];
	v62 =	vadd.s32 v2, v46  }
0x70: {  	v60 =	vadd.s32 v26, v35;
	v59 =	vld [tilespmem:s29+$0x90];
	[tilespmem:v63+s13+$0x0] =	vst.idx.msk $0xffff, v33  }
0x71: {  	v55 =	vadd.s32 v11, v40;
	v54 =	vadd.s32 v32, v41;
	v41 =	vld [tilespmem:s29+$0xFFFFFFA0];
	[tilespmem:v56+s13+$0x0] =	vst.idx.msk $0xffff, v49  }
0x72: {  	v53 =	vadd.s32 v7, v47;
	v63 =	vld [tilespmem:s29+$0xFFFFFF60];
	[tilespmem:v39+s13+$0x0] =	vst.idx.msk $0xffff, v34  }
0x73: {  	v56 =	vld [tilespmem:s29+$0xFFFFFFE0];
	[tilespmem:v58+s13+$0x0] =	vst.idx.msk $0xffff, v57;
	v57 =	vadd.s32 v15, v42  }
0x74: {  	[tilespmem:v62+s13+$0x0] =	vst.idx.msk $0xffff, v61;
	v34 =	vld [tilespmem:s29+$0xF0]  }
0x75: {  	v58 =	vld [tilespmem:s29+$0x20];
	[tilespmem:v60+s13+$0x0] =	vst.idx.msk $0xffff, v59;
	v59 =	vadd.s32 v19, v44  }
0x76: {  	v61 =	vadd.s32 v23, v38;
	[tilespmem:v55+s13+$0x0] =	vst.idx.msk $0xffff, v41;
	v60 =	vld [tilespmem:s29+$0x60]  }
0x77: {  	[tilespmem:v53+s13+$0x0] =	vst.idx.msk $0xffff, v63;
	v63 =	vadd.s32 v27, v35;
	v62 =	vld [tilespmem:s29+$0xA0]  }
0x78: {  	v47 =	vadd.s32 v8, v47;
	v55 =	vld [tilespmem:s29+$0xFFFFFF70];
	[tilespmem:v57+s13+$0x0] =	vst.idx.msk $0xffff, v56  }
0x79: {  	v53 =	vld [tilespmem:s29+$0xFFFFFF20];
	[tilespmem:v54+s13+$0x0] =	vst.idx.msk $0xffff, v34;
	v54 =	vadd.s32 v3, v46  }
0x7a: {  	v40 =	vadd.s32 v12, v40;
	v56 =	vld [tilespmem:s29+$0xFFFFFFB0];
	[tilespmem:v59+s13+$0x0] =	vst.idx.msk $0xffff, v58  }
0x7b: {  	v42 =	vadd.s32 v16, v42;
	v57 =	vld [tilespmem:s29+$0xFFFFFFF0];
	[tilespmem:v61+s13+$0x0] =	vst.idx.msk $0xffff, v60  }
0x7c: {  	v59 =	vadd.s32 v20, v44;
	v58 =	vld [tilespmem:s29+$0x30];
	[tilespmem:v63+s13+$0x0] =	vst.idx.msk $0xffff, v62  }
0x7d: {  	s23 =	sadd.s32 s6, s21;
	v38 =	vadd.s32 v24, v38;
	v60 =	vld [tilespmem:s29+$0x70];
	[tilespmem:v47+s13+$0x0] =	vst.idx.msk $0xffff, v55  }
0x7e: {  	s30 =	sshrl.u32 s23, $0x5;
	v35 =	vadd.s32 v28, v35;
	v61 =	vld [tilespmem:s29+$0xB0];
	[tilespmem:v54+s13+$0x0] =	vst.idx.msk $0xffff, v53  }
0x7f: {  	s24 =	sand.u32 $0x6, s21;
	s31 =	sand.u32 $0x3FF8, s30;
	v63 =	vadd.s32 v4, v46;
	[tilespmem:v40+s13+$0x0] =	vst.idx.msk $0xffff, v56;
	v62 =	vld [tilespmem:s29+$0xFFFFFF30]  }
0x80: {  	s25 =	sshll.u32 s23, $0x7;
	s21 =	sor.u32 s24, s31;
	[tilespmem:v42+s13+$0x0] =	vst.idx.msk $0xffff, v57  }
0x81: {  	s22 =	sand.u32 $0x7C00, s25;
	s21 =	sshll.u32 s21, $0x12;
	[tilespmem:v59+s13+$0x0] =	vst.idx.msk $0xffff, v58  }
0x82: {  	s21 =	sor.u32 s22, s21;
	[tilespmem:v38+s13+$0x0] =	vst.idx.msk $0xffff, v60  }
0x83: {  	s21 =	sshrl.u32 s21, $0x3;
	[tilespmem:v35+s13+$0x0] =	vst.idx.msk $0xffff, v61  }
0x84: {  	s26 =	simm.s32 $0xA400;
	s22 =	sadd.s32 s2, s21;
	[tilespmem:v63+s13+$0x0] =	vst.idx.msk $0xffff, v62  }
0x85: {  	[hbm4b:s22+s3] =	stream.linear.scatter [tilespmem:s26], [sflag:$0x3], $0x80, $0x38;
	[tilespmem:$0xE800] =	vst v63  }
0x86: {  	s28 =	simm.s32 $0xA488;
	s29 =	sadd.s32 $0x10, s22  }
0x87: {  	[hbm4b:s29+s3] =	stream.linear.scatter [tilespmem:s28], [sflag:$0x3], $0x80, $0x38;
	[tilespmem:$0xE800] =	vst v63  }
0x88: {  	s23 =	simm.s32 $0xA598;
	s30 =	simm.s32 $0xA510;
	s31 =	sadd.s32 $0x20, s22  }
0x89: {  	[hbm4b:s31+s3] =	stream.linear.scatter [tilespmem:s30], [sflag:$0x3], $0x80, $0x38;
	[tilespmem:$0xE800] =	vst v63  }
0x8a: {  	s25 =	simm.s32 $0xA620;
	s21 =	simm.s32 $0x440;
	s24 =	sadd.s32 $0x30, s22  }
0x8b: {  	[hbm4b:s24+s3] =	stream.linear.scatter [tilespmem:s23], [sflag:$0x3], $0x80, $0x38;
	[tilespmem:$0xE800] =	vst v63  }
0x8c: {  	s26 =	sadd.s32 $0x40, s22;
	s28 =	simm.s32 $0xA6A8;
	s29 =	sadd.s32 $0x50, s22  }
0x8d: {  	[hbm4b:s26+s3] =	stream.linear.scatter [tilespmem:s25], [sflag:$0x3], $0x80, $0x38;
	[tilespmem:$0xE800] =	vst v63  }
0x8e: {  	s30 =	simm.s32 $0xA730;
	s31 =	sadd.s32 $0x60, s22;
	s23 =	simm.s32 $0x2200  }
0x8f: {  	[hbm4b:s29+s3] =	stream.linear.scatter [tilespmem:s28], [sflag:$0x3], $0x80, $0x38;
	[tilespmem:$0xE800] =	vst v63  }
0x90: {  	s24 =	simm.s32 $0xA7B8;
	s25 =	sadd.s32 $0x70, s22;
	s22 =	sadd.s32 $0x1000, s22  }
0x91: {  	[hbm4b:s31+s3] =	stream.linear.scatter [tilespmem:s30], [sflag:$0x3], $0x80, $0x38;
	[tilespmem:$0xE800] =	vst v63  }
.LBB2_5:
0x92: {  	[hbm4b:s25+s3] =	stream.linear.scatter [tilespmem:s24], [sflag:$0x3], $0x80, $0x38;
	[tilespmem:$0xE800] =	vst v63  }
0x93: {  	s24 =	smov.u32 s21;
	s21 =	smov.u32 s23  }
0x94: {  	s26 =	sadd.s32 $0x1100, s23;
	s21 =	sshra.s32 s21, $0x2;
	s25 =	sadd.s32 $0xA400, s24  }
0x95: {  	[hbm4b:s22+s3] =	stream.linear.scatter [tilespmem:s25], [sflag:$0x3], $0x80, $0x38;
	[tilespmem:$0xE800] =	vst v63  }
0x96: {  	p0 =	sne.s32 s23, $0x7700;
	s23 =	sadd.s32 $0xA488, s24;
	s25 =	sadd.s32 $0x10, s22  }
0x97: {  	[hbm4b:s25+s3] =	stream.linear.scatter [tilespmem:s23], [sflag:$0x3], $0x80, $0x38;
	[tilespmem:$0xE800] =	vst v63  }
0x98: {  	s23 =	sadd.s32 $0xA510, s24;
	s25 =	sadd.s32 $0x20, s22  }
0x99: {  	[hbm4b:s25+s3] =	stream.linear.scatter [tilespmem:s23], [sflag:$0x3], $0x80, $0x38;
	[tilespmem:$0xE800] =	vst v63  }
0x9a: {  	s23 =	sadd.s32 $0xA598, s24;
	s25 =	sadd.s32 $0x30, s22  }
0x9b: {  	[hbm4b:s25+s3] =	stream.linear.scatter [tilespmem:s23], [sflag:$0x3], $0x80, $0x38;
	[tilespmem:$0xE800] =	vst v63  }
0x9c: {  	s23 =	sadd.s32 $0xA620, s24;
	s25 =	sadd.s32 $0x40, s22  }
0x9d: {  	[hbm4b:s25+s3] =	stream.linear.scatter [tilespmem:s23], [sflag:$0x3], $0x80, $0x38;
	[tilespmem:$0xE800] =	vst v63  }
.Ltmp1:
0x9e: {  	s23 =	sadd.s32 $0xA6A8, s24;
	s25 =	sadd.s32 $0x50, s22;
	(pc) =	sbr.rel @p0 .LBB2_5-.Ltmp1, $4  }
0x9f: {  	[hbm4b:s25+s3] =	stream.linear.scatter [tilespmem:s23], [sflag:$0x3], $0x80, $0x38;
	[tilespmem:$0xE800] =	vst v63  }
0xa0: {  	s23 =	sadd.s32 $0xA730, s24;
	s25 =	sadd.s32 $0x60, s22;
	s24 =	sadd.s32 $0xA7B8, s24  }
0xa1: {  	[hbm4b:s25+s3] =	stream.linear.scatter [tilespmem:s23], [sflag:$0x3], $0x80, $0x38;
	[tilespmem:$0xE800] =	vst v63  }
0xa2: {  	s25 =	sadd.s32 $0x70, s22;
	s22 =	sadd.s32 $0x1000, s22;
	s23 =	smov.u32 s26  }
0xa3: {  	[hbm4b:s25+s3] =	stream.linear.scatter [tilespmem:s24], [sflag:$0x3], $0x80, $0x38;
	[tilespmem:$0xE800] =	vst v63  }
0xa4: {  	s23 =	sadd.s32 $0xA400, s21  }
0xa5: {  	[hbm4b:s22+s3] =	stream.linear.scatter [tilespmem:s23], [sflag:$0x3], $0x80, $0x38;
	[tilespmem:$0xE800] =	vst v63  }
0xa6: {  	s25 =	sadd.s32 $0xA488, s21;
	s26 =	sadd.s32 $0x10, s22  }
0xa7: {  	[hbm4b:s26+s3] =	stream.linear.scatter [tilespmem:s25], [sflag:$0x3], $0x80, $0x38;
	[tilespmem:$0xE800] =	vst v63  }
0xa8: {  	s28 =	sadd.s32 $0xA510, s21;
	s29 =	sadd.s32 $0x20, s22;
	s30 =	sadd.s32 $0xA598, s21  }
0xa9: {  	[hbm4b:s29+s3] =	stream.linear.scatter [tilespmem:s28], [sflag:$0x3], $0x80, $0x38;
	[tilespmem:$0xE800] =	vst v63  }
0xaa: {  	s31 =	sadd.s32 $0x30, s22;
	s24 =	sadd.s32 $0xA620, s21;
	p0 =	seq.s32 s19, $0x63  }
0xab: {  	[hbm4b:s31+s3] =	stream.linear.scatter [tilespmem:s30], [sflag:$0x3], $0x80, $0x38;
	[tilespmem:$0xE800] =	vst v63  }
0xac: {  	p1 =	seq.s32 @!p0 s19, $0x0;
	s23 =	sadd.s32 $0x70, s22;
	s25 =	sadd.s32 $0x40, s22  }
0xad: {  	[hbm4b:s25+s3] =	stream.linear.scatter [tilespmem:s24], [sflag:$0x3], $0x80, $0x38;
	[tilespmem:$0xE800] =	vst v63  }
0xae: {  	s26 =	sadd.s32 $0xA6A8, s21;
	s28 =	sadd.s32 $0x50, s22;
	s29 =	sadd.s32 $0xA730, s21  }
0xaf: {  	[hbm4b:s28+s3] =	stream.linear.scatter [tilespmem:s26], [sflag:$0x3], $0x80, $0x38;
	[tilespmem:$0xE800] =	vst v63  }
0xb0: {  	s30 =	sadd.s32 $0x60, s22;
	s31 =	sadd.s32 $0xA7B8, s21;
	s21 =	sshll.u32 @!p0 s19, $0x8  }
0xb1: {  	[hbm4b:s30+s3] =	stream.linear.scatter [tilespmem:s29], [sflag:$0x3], $0x80, $0x38;
	[tilespmem:$0xE800] =	vst v63  }
0xb2: {  	s22 =	simm.s32 @!p0 $0x80;
	s21 =	sand.u32 @!p0 $0x3FFFFF00, s21;
	s24 =	simm.s32 $0x0  }
0xb3: {  	[hbm4b:s23+s3] =	stream.linear.scatter [tilespmem:s31], [sflag:$0x3], $0x80, $0x38;
	[tilespmem:$0xE800] =	vst v63  }
0xb4: {  	s21 =	sadd.s32 @!p0 $0x100, s21;
	s25 =	simm.s32 $0x1;
	v33 =	vmov s24;
	_ =	swait.ge [sflag:s14], $0x2000  }
0xb5: {  	v34 =	vmov s25;
	s26 =	simm.s32 $0x2;
	v33 =	vshrl.u32 v33, $0x3;
	s28 =	simm.s32 $0x3;
	[sflag:s14] =	ssyncset.done $0x0  }
0xb6: {  	v34 =	vshrl.u32 v34, $0x3;
	v35 =	vmov s26;
	v36 =	vmov s28;
	s30 =	simm.s32 $0x7;
	s23 =	simm.s32 @!p0 $0x6400;
	[sflag:s14] =	ssyncadd.s32 $0xFFFFE000  }
0xb7: {  	v33 =	vshll.u32 v33, v1;
	v34 =	vshll.u32 v34, v1;
	v38 =	vmov s30;
	[tilespmem:s23], [sflag:$0x1] =	stream.indirect.gather @!p0 [hbm4b:s4+s22], $0x40, s21, s22, $0xb8;
	[tilespmem:$0xE800] =	vst v63  }
0xb8: {  	v35 =	vshrl.u32 v35, $0x3;
	v36 =	vshrl.u32 v36, $0x3;
	v38 =	vshrl.u32 v38, $0x3;
	p0 =	por p0, !p1  }
0xb9: {  	s29 =	simm.s32 $0x4;
	v33 =	vbroadcast v33, $0x0;
	v45 =	vbroadcast v34, $0x0;
	v38 =	vshll.u32 v38, v1;
	_ =	swait.ge @p0 [sflag:s17], $0x2000  }
0xba: {  	v37 =	vmov s29;
	v52 =	vshll.u32 v35, v1;
	v38 =	vbroadcast v38, $0x0;
	[sflag:s17] =	ssyncset.done @p0 $0x0  }
0xbb: {  	v53 =	vshll.u32 v36, v1;
	v37 =	vshrl.u32 v37, $0x3;
	v44 =	vadd.s32 v0, v33;
	s21 =	simm.s32 $0x8500;
	[sflag:s17] =	ssyncadd.s32 @p0 $0xFFFFE000  }
0xbc: {  	s31 =	simm.s32 $0x5;
	v52 =	vbroadcast v52, $0x0;
	v47 =	vadd.s32 v5, v45;
	v42 =	vadd.s32 v29, v38;
	v41 =	vld [tilespmem:s21+$0xC0]  }
0xbd: {  	v35 =	vbroadcast v53, $0x0;
	v39 =	vmov s31;
	v54 =	vshll.u32 v37, v1;
	s23 =	simm.s32 $0x6;
	v43 =	vld [tilespmem:s21+$0xFFFFFF00]  }
0xbe: {  	v49 =	vadd.s32 v9, v52;
	v55 =	vshrl.u32 v39, $0x3;
	v40 =	vmov s23;
	v46 =	vld [tilespmem:s21+$0xFFFFFF40]  }
0xbf: {  	v34 =	vbroadcast v54, $0x0;
	v36 =	vshll.u32 v55, v1;
	v40 =	vshrl.u32 v40, $0x3;
	v48 =	vld [tilespmem:s21+$0xFFFFFF80]  }
0xc0: {  	v50 =	vadd.s32 v13, v35;
	v37 =	vbroadcast v36, $0x0;
	v56 =	vshll.u32 v40, v1;
	v39 =	vld [tilespmem:s21+$0xFFFFFFC0]  }
0xc1: {  	v53 =	vadd.s32 v17, v34;
	v51 =	vld [tilespmem:s21+$0x0];
	v36 =	vbroadcast v56, $0x0;
	[tilespmem:v42+s15+$0x0] =	vst.idx.msk $0xffff, v41  }
0xc2: {  	v60 =	vadd.s32 v21, v37;
	v59 =	vld [tilespmem:s21+$0x40];
	[tilespmem:v44+s15+$0x0] =	vst.idx.msk $0xffff, v43  }
0xc3: {  	v61 =	vld [tilespmem:s21+$0x80];
	v62 =	vadd.s32 v25, v36;
	[tilespmem:v47+s15+$0x0] =	vst.idx.msk $0xffff, v46  }
0xc4: {  	v58 =	vadd.s32 v30, v38;
	[tilespmem:v49+s15+$0x0] =	vst.idx.msk $0xffff, v48;
	v57 =	vld [tilespmem:s21+$0xD0]  }
0xc5: {  	v63 =	vadd.s32 v6, v45;
	[tilespmem:v50+s15+$0x0] =	vst.idx.msk $0xffff, v39;
	v47 =	vld [tilespmem:s21+$0xFFFFFF50]  }
0xc6: {  	v55 =	vadd.s32 v10, v52;
	[tilespmem:v53+s15+$0x0] =	vst.idx.msk $0xffff, v51;
	v54 =	vld [tilespmem:s21+$0xFFFFFF90]  }
0xc7: {  	v56 =	vadd.s32 v14, v35;
	[tilespmem:v60+s15+$0x0] =	vst.idx.msk $0xffff, v59;
	v50 =	vld [tilespmem:s21+$0xFFFFFFD0]  }
0xc8: {  	v46 =	vadd.s32 v22, v37;
	v44 =	vld [tilespmem:s21+$0x50];
	[tilespmem:v62+s15+$0x0] =	vst.idx.msk $0xffff, v61  }
0xc9: {  	v59 =	vadd.s32 v18, v34;
	[tilespmem:v58+s15+$0x0] =	vst.idx.msk $0xffff, v57;
	v58 =	vld [tilespmem:s21+$0x10]  }
0xca: {  	v57 =	vadd.s32 v31, v38;
	[tilespmem:v63+s15+$0x0] =	vst.idx.msk $0xffff, v47;
	v40 =	vld [tilespmem:s21+$0xE0]  }
0xcb: {  	v60 =	vadd.s32 v26, v36;
	[tilespmem:v55+s15+$0x0] =	vst.idx.msk $0xffff, v54;
	v63 =	vld [tilespmem:s21+$0x90]  }
0xcc: {  	v61 =	vld [tilespmem:s21+$0xFFFFFF10];
	v62 =	vadd.s32 v2, v33;
	[tilespmem:v56+s15+$0x0] =	vst.idx.msk $0xffff, v50  }
0xcd: {  	v51 =	vadd.s32 v7, v45;
	[tilespmem:v46+s15+$0x0] =	vst.idx.msk $0xffff, v44;
	v50 =	vld [tilespmem:s21+$0xFFFFFF60]  }
0xce: {  	v56 =	vadd.s32 v11, v52;
	v55 =	vld [tilespmem:s21+$0xFFFFFFA0];
	[tilespmem:v59+s15+$0x0] =	vst.idx.msk $0xffff, v58  }
0xcf: {  	v58 =	vadd.s32 v15, v35;
	[tilespmem:v57+s15+$0x0] =	vst.idx.msk $0xffff, v40;
	v57 =	vld [tilespmem:s21+$0xFFFFFFE0]  }
0xd0: {  	[tilespmem:v60+s15+$0x0] =	vst.idx.msk $0xffff, v63;
	v60 =	vadd.s32 v19, v34;
	v59 =	vld [tilespmem:s21+$0x20]  }
0xd1: {  	s25 =	simm.s32 $0x9;
	v38 =	vadd.s32 v32, v38;
	[tilespmem:v62+s15+$0x0] =	vst.idx.msk $0xffff, v61;
	v54 =	vld [tilespmem:s21+$0xF0]  }
0xd2: {  	s24 =	simm.s32 $0x8;
	v41 =	vadd.s32 v23, v37;
	v53 =	vmov s25;
	[tilespmem:v51+s15+$0x0] =	vst.idx.msk $0xffff, v50;
	v40 =	vld [tilespmem:s21+$0x60]  }
0xd3: {  	s28 =	simm.s32 $0xB;
	s29 =	simm.s32 $0xC;
	v43 =	vadd.s32 v27, v36;
	v48 =	vadd.s32 v3, v33;
	v63 =	vmov s24;
	v42 =	vld [tilespmem:s21+$0xA0];
	[tilespmem:v56+s15+$0x0] =	vst.idx.msk $0xffff, v55  }
0xd4: {  	s31 =	simm.s32 $0xE;
	v44 =	vmov s28;
	v47 =	vmov s29;
	v46 =	vld [tilespmem:s21+$0xFFFFFF20];
	v39 =	vshrl.u32 v63, $0x3;
	[tilespmem:v58+s15+$0x0] =	vst.idx.msk $0xffff, v57  }
0xd5: {  	s26 =	simm.s32 $0xA;
	s30 =	simm.s32 $0xD;
	v51 =	vadd.s32 v8, v45;
	v49 =	vld [tilespmem:s21+$0xFFFFFF70];
	v45 =	vshll.u32 v39, v1;
	v39 =	vmov s31;
	[tilespmem:v60+s15+$0x0] =	vst.idx.msk $0xffff, v59  }
0xd6: {  	s22 =	simm.s32 $0x10;
	s23 =	simm.s32 $0xF;
	v52 =	vadd.s32 v12, v52;
	v50 =	vld [tilespmem:s21+$0xFFFFFFB0];
	[tilespmem:v38+s15+$0x0] =	vst.idx.msk $0xffff, v54;
	v54 =	vmov s26;
	v38 =	vmov s30  }
.LBB2_7:
0xd7: {  	p0 =	slt.u32 s22, $0x78;
	v53 =	vshrl.u32 v53, $0x3;
	v55 =	vmov s23;
	v56 =	vld [tilespmem:s21+$0xFFFFFFF0];
	v35 =	vadd.s32 v16, v35;
	[tilespmem:v41+s15+$0x0] =	vst.idx.msk $0xffff, v40  }
0xd8: {  	v40 =	vshrl.u32 v54, $0x3;
	v34 =	vadd.s32 v20, v34;
	v41 =	vshrl.u32 v55, $0x3;
	v54 =	vld [tilespmem:s21+$0x30];
	[tilespmem:v43+s15+$0x0] =	vst.idx.msk $0xffff, v42  }
0xd9: {  	v37 =	vadd.s32 v24, v37;
	v42 =	vshrl.u32 v44, $0x3;
	v41 =	vshll.u32 v41, v1;
	[tilespmem:v48+s15+$0x0] =	vst.idx.msk $0xffff, v46;
	v43 =	vld [tilespmem:s21+$0x70]  }
0xda: {  	v36 =	vadd.s32 v28, v36;
	v44 =	vshrl.u32 v47, $0x3;
	v41 =	vbroadcast v41, $0x0;
	[tilespmem:v51+s15+$0x0] =	vst.idx.msk $0xffff, v49;
	v46 =	vld [tilespmem:s21+$0xB0]  }
0xdb: {  	v47 =	vshll.u32 v53, v1;
	v49 =	vadd.s32 v4, v33;
	v33 =	vbroadcast v45, $0x0;
	v48 =	vld [tilespmem:s21+$0xFFFFFF30];
	[tilespmem:v52+s15+$0x0] =	vst.idx.msk $0xffff, v50;
	s21 =	sadd.s32 $0x200, s21  }
0xdc: {  	v40 =	vshll.u32 v40, v1;
	v45 =	vbroadcast v47, $0x0;
	v47 =	vld [tilespmem:s21+$0xC0];
	v50 =	vadd.s32 v29, v41;
	[tilespmem:v35+s15+$0x0] =	vst.idx.msk $0xffff, v56  }
0xdd: {  	v55 =	vbroadcast v40, $0x0;
	v52 =	vadd.s32 v0, v33;
	v35 =	vshll.u32 v42, v1;
	v51 =	vld [tilespmem:s21+$0xFFFFFF00];
	[tilespmem:v34+s15+$0x0] =	vst.idx.msk $0xffff, v54  }
0xde: {  	v42 =	vadd.s32 v5, v45;
	v35 =	vbroadcast v35, $0x0;
	v34 =	vshll.u32 v44, v1;
	v40 =	vld [tilespmem:s21+$0xFFFFFF40];
	[tilespmem:v37+s15+$0x0] =	vst.idx.msk $0xffff, v43  }
0xdf: {  	v44 =	vadd.s32 v9, v55;
	v34 =	vbroadcast v34, $0x0;
	v37 =	vshrl.u32 v38, $0x3;
	v43 =	vld [tilespmem:s21+$0xFFFFFF80];
	[tilespmem:v36+s15+$0x0] =	vst.idx.msk $0xffff, v46  }
0xe0: {  	v39 =	vshrl.u32 v39, $0x3;
	v46 =	vadd.s32 v13, v35;
	v36 =	vshll.u32 v37, v1;
	v38 =	vld [tilespmem:s21+$0xFFFFFFC0];
	[tilespmem:v49+s15+$0x0] =	vst.idx.msk $0xffff, v48  }
0xe1: {  	v49 =	vadd.s32 v17, v34;
	v37 =	vbroadcast v36, $0x0;
	v36 =	vshll.u32 v39, v1;
	v48 =	vld [tilespmem:s21+$0x0];
	[tilespmem:v50+s15+$0x0] =	vst.idx.msk $0xffff, v47  }
0xe2: {  	v36 =	vbroadcast v36, $0x0;
	v47 =	vadd.s32 v30, v41;
	[tilespmem:v52+s15+$0x0] =	vst.idx.msk $0xffff, v51;
	v39 =	vld [tilespmem:s21+$0xD0]  }
0xe3: {  	[tilespmem:v42+s15+$0x0] =	vst.idx.msk $0xffff, v40;
	v40 =	vld [tilespmem:s21+$0x40];
	v42 =	vadd.s32 v21, v37  }
0xe4: {  	[tilespmem:v44+s15+$0x0] =	vst.idx.msk $0xffff, v43;
	v43 =	vld [tilespmem:s21+$0x80];
	v44 =	vadd.s32 v25, v36  }
0xe5: {  	v51 =	vadd.s32 v6, v45;
	v50 =	vld [tilespmem:s21+$0xFFFFFF50];
	[tilespmem:v46+s15+$0x0] =	vst.idx.msk $0xffff, v38  }
0xe6: {  	v46 =	vadd.s32 v10, v55;
	v38 =	vld [tilespmem:s21+$0xFFFFFF90];
	[tilespmem:v49+s15+$0x0] =	vst.idx.msk $0xffff, v48  }
0xe7: {  	v49 =	vadd.s32 v14, v35;
	v48 =	vld [tilespmem:s21+$0xFFFFFFD0];
	[tilespmem:v47+s15+$0x0] =	vst.idx.msk $0xffff, v39  }
0xe8: {  	[tilespmem:v42+s15+$0x0] =	vst.idx.msk $0xffff, v40;
	v39 =	vld [tilespmem:s21+$0xE0];
	v40 =	vadd.s32 v31, v41  }
0xe9: {  	v47 =	vadd.s32 v18, v34;
	v42 =	vld [tilespmem:s21+$0x10];
	[tilespmem:v44+s15+$0x0] =	vst.idx.msk $0xffff, v43  }
0xea: {  	v44 =	vadd.s32 v22, v37;
	[tilespmem:v51+s15+$0x0] =	vst.idx.msk $0xffff, v50;
	v43 =	vld [tilespmem:s21+$0x50]  }
0xeb: {  	[tilespmem:v46+s15+$0x0] =	vst.idx.msk $0xffff, v38;
	v38 =	vld [tilespmem:s21+$0x90];
	v46 =	vadd.s32 v26, v36  }
0xec: {  	v51 =	vadd.s32 v2, v33;
	v50 =	vld [tilespmem:s21+$0xFFFFFF10];
	[tilespmem:v49+s15+$0x0] =	vst.idx.msk $0xffff, v48  }
0xed: {  	v49 =	vadd.s32 v7, v45;
	v48 =	vld [tilespmem:s21+$0xFFFFFF60];
	[tilespmem:v40+s15+$0x0] =	vst.idx.msk $0xffff, v39  }
0xee: {  	[tilespmem:v47+s15+$0x0] =	vst.idx.msk $0xffff, v42;
	v39 =	vld [tilespmem:s21+$0xF0];
	v47 =	vadd.s32 v32, v41  }
0xef: {  	v56 =	vadd.s32 v11, v55;
	v52 =	vld [tilespmem:s21+$0xFFFFFFA0];
	[tilespmem:v44+s15+$0x0] =	vst.idx.msk $0xffff, v43  }
0xf0: {  	v58 =	vadd.s32 v15, v35;
	v57 =	vld [tilespmem:s21+$0xFFFFFFE0];
	[tilespmem:v46+s15+$0x0] =	vst.idx.msk $0xffff, v38  }
0xf1: {  	v60 =	vadd.s32 v19, v34;
	[tilespmem:v51+s15+$0x0] =	vst.idx.msk $0xffff, v50;
	v59 =	vld [tilespmem:s21+$0x20]  }
.Ltmp2:
0xf2: {  	s23 =	sadd.s32 $0x1, s22;
	v41 =	vadd.s32 v23, v37;
	v38 =	vmov s22;
	[tilespmem:v49+s15+$0x0] =	vst.idx.msk $0xffff, v48;
	v40 =	vld [tilespmem:s21+$0x60];
	(pc) =	sbr.rel @p0 .LBB2_7-.Ltmp2, $4  }
0xf3: {  	s24 =	sadd.s32 $0x3, s22;
	v53 =	vmov s23;
	s23 =	sadd.s32 $0x2, s22;
	v43 =	vadd.s32 v27, v36;
	v50 =	vshrl.u32 v38, $0x3;
	v42 =	vld [tilespmem:s21+$0xA0];
	[tilespmem:v47+s15+$0x0] =	vst.idx.msk $0xffff, v39  }
0xf4: {  	v54 =	vmov s23;
	s23 =	sadd.s32 $0x4, s22;
	v44 =	vmov s24;
	s24 =	sadd.s32 $0x5, s22;
	v48 =	vadd.s32 v3, v33;
	v46 =	vld [tilespmem:s21+$0xFFFFFF20];
	[tilespmem:v56+s15+$0x0] =	vst.idx.msk $0xffff, v52  }
0xf5: {  	v38 =	vmov s24;
	v51 =	vadd.s32 v8, v45;
	v47 =	vmov s23;
	s23 =	sadd.s32 $0x6, s22;
	v49 =	vld [tilespmem:s21+$0xFFFFFF70];
	[tilespmem:v58+s15+$0x0] =	vst.idx.msk $0xffff, v57  }
0xf6: {  	v45 =	vshll.u32 v50, v1;
	v39 =	vmov s23;
	s23 =	sadd.s32 $0x7, s22;
	s22 =	sadd.s32 $0x8, s22;
	v52 =	vadd.s32 v12, v55;
	v50 =	vld [tilespmem:s21+$0xFFFFFFB0];
	[tilespmem:v60+s15+$0x0] =	vst.idx.msk $0xffff, v59  }
0xf7: {  	_ =	sdelay $0x2  }
0xf8: {  	v53 =	vshrl.u32 v53, $0x3  }
0xf9: {  	v55 =	vmov s23;
	v56 =	vld [tilespmem:s21+$0xFFFFFFF0];
	v35 =	vadd.s32 v16, v35;
	[tilespmem:v41+s15+$0x0] =	vst.idx.msk $0xffff, v40;
	v57 =	vshrl.u32 v54, $0x3  }
0xfa: {  	v59 =	vld [tilespmem:s21+$0x30];
	v34 =	vadd.s32 v20, v34;
	v60 =	vshrl.u32 v44, $0x3;
	v58 =	vshrl.u32 v55, $0x3;
	[tilespmem:v43+s15+$0x0] =	vst.idx.msk $0xffff, v42  }
0xfb: {  	v37 =	vadd.s32 v24, v37;
	v62 =	vshrl.u32 v47, $0x3;
	v61 =	vld [tilespmem:s21+$0x70];
	v41 =	vshll.u32 v58, v1;
	[tilespmem:v48+s15+$0x0] =	vst.idx.msk $0xffff, v46  }
0xfc: {  	v36 =	vadd.s32 v28, v36;
	v45 =	vbroadcast v45, $0x0;
	v63 =	vld [tilespmem:s21+$0xB0];
	v41 =	vbroadcast v41, $0x0;
	[tilespmem:v51+s15+$0x0] =	vst.idx.msk $0xffff, v49  }
0xfd: {  	v33 =	vadd.s32 v4, v33;
	s30 =	sadd.s32 $0x200, s21;
	v38 =	vshrl.u32 v38, $0x3;
	v55 =	vshll.u32 v53, v1;
	v48 =	vld [tilespmem:s21+$0xFFFFFF30];
	[tilespmem:v52+s15+$0x0] =	vst.idx.msk $0xffff, v50  }
0xfe: {  	v40 =	vshll.u32 v57, v1;
	v47 =	vbroadcast v55, $0x0;
	v49 =	vld [tilespmem:s30+$0xC0];
	v50 =	vadd.s32 v29, v41;
	[tilespmem:v35+s15+$0x0] =	vst.idx.msk $0xffff, v56  }
0xff: {  	v42 =	vshll.u32 v60, v1;
	v40 =	vbroadcast v40, $0x0;
	v35 =	vld [tilespmem:s30+$0xFFFFFF00];
	v56 =	vadd.s32 v0, v45;
	[tilespmem:v34+s15+$0x0] =	vst.idx.msk $0xffff, v59  }
0x100: {  	v57 =	vld [tilespmem:s30+$0xFFFFFF40];
	v44 =	vshll.u32 v62, v1;
	v42 =	vbroadcast v42, $0x0;
	v58 =	vadd.s32 v5, v47;
	[tilespmem:v37+s15+$0x0] =	vst.idx.msk $0xffff, v61  }
0x101: {  	v38 =	vshll.u32 v38, v1;
	v44 =	vbroadcast v44, $0x0;
	v60 =	vadd.s32 v9, v40;
	v59 =	vld [tilespmem:s30+$0xFFFFFF80];
	[tilespmem:v36+s15+$0x0] =	vst.idx.msk $0xffff, v63  }
0x102: {  	v38 =	vbroadcast v38, $0x0;
	v62 =	vadd.s32 v13, v42;
	v61 =	vld [tilespmem:s30+$0xFFFFFFC0];
	[tilespmem:v33+s15+$0x0] =	vst.idx.msk $0xffff, v48  }
0x103: {  	v39 =	vshrl.u32 v39, $0x3;
	v63 =	vadd.s32 v17, v44;
	v33 =	vld [tilespmem:s30+$0x0];
	[tilespmem:v50+s15+$0x0] =	vst.idx.msk $0xffff, v49  }
0x104: {  	v39 =	vshll.u32 v39, v1;
	v34 =	vld [tilespmem:s30+$0x40];
	[tilespmem:v56+s15+$0x0] =	vst.idx.msk $0xffff, v35;
	v56 =	vadd.s32 v21, v38  }
0x105: {  	[tilespmem:v58+s15+$0x0] =	vst.idx.msk $0xffff, v57;
	v35 =	vbroadcast v39, $0x0;
	v49 =	vadd.s32 v30, v41;
	v39 =	vld [tilespmem:s30+$0xD0]  }
0x106: {  	[tilespmem:v60+s15+$0x0] =	vst.idx.msk $0xffff, v59;
	v59 =	vld [tilespmem:s30+$0xFFFFFF50];
	v60 =	vadd.s32 v6, v47  }
0x107: {  	v57 =	vld [tilespmem:s30+$0x80];
	[tilespmem:v62+s15+$0x0] =	vst.idx.msk $0xffff, v61;
	v58 =	vadd.s32 v25, v35  }
0x108: {  	v61 =	vld [tilespmem:s30+$0xFFFFFF90];
	v62 =	vadd.s32 v10, v40;
	[tilespmem:v63+s15+$0x0] =	vst.idx.msk $0xffff, v33  }
0x109: {  	v33 =	vld [tilespmem:s30+$0xFFFFFFD0];
	v63 =	vadd.s32 v14, v42;
	[tilespmem:v56+s15+$0x0] =	vst.idx.msk $0xffff, v34  }
0x10a: {  	v56 =	vadd.s32 v18, v44;
	[tilespmem:v49+s15+$0x0] =	vst.idx.msk $0xffff, v39;
	v49 =	vld [tilespmem:s30+$0x10]  }
0x10b: {  	[tilespmem:v60+s15+$0x0] =	vst.idx.msk $0xffff, v59;
	v39 =	vadd.s32 v31, v41;
	v34 =	vld [tilespmem:s30+$0xE0]  }
0x10c: {  	[tilespmem:v58+s15+$0x0] =	vst.idx.msk $0xffff, v57;
	v57 =	vld [tilespmem:s30+$0x50];
	v58 =	vadd.s32 v22, v38  }
0x10d: {  	[tilespmem:v62+s15+$0x0] =	vst.idx.msk $0xffff, v61;
	v61 =	vld [tilespmem:s30+$0xFFFFFF10];
	v62 =	vadd.s32 v2, v45  }
0x10e: {  	v60 =	vadd.s32 v26, v35;
	v59 =	vld [tilespmem:s30+$0x90];
	[tilespmem:v63+s15+$0x0] =	vst.idx.msk $0xffff, v33  }
0x10f: {  	v55 =	vadd.s32 v11, v40;
	v54 =	vadd.s32 v32, v41;
	v41 =	vld [tilespmem:s30+$0xFFFFFFA0];
	[tilespmem:v56+s15+$0x0] =	vst.idx.msk $0xffff, v49  }
0x110: {  	v53 =	vadd.s32 v7, v47;
	v63 =	vld [tilespmem:s30+$0xFFFFFF60];
	[tilespmem:v39+s15+$0x0] =	vst.idx.msk $0xffff, v34  }
0x111: {  	v56 =	vld [tilespmem:s30+$0xFFFFFFE0];
	[tilespmem:v58+s15+$0x0] =	vst.idx.msk $0xffff, v57;
	v57 =	vadd.s32 v15, v42  }
0x112: {  	[tilespmem:v62+s15+$0x0] =	vst.idx.msk $0xffff, v61;
	v34 =	vld [tilespmem:s30+$0xF0]  }
0x113: {  	v58 =	vld [tilespmem:s30+$0x20];
	[tilespmem:v60+s15+$0x0] =	vst.idx.msk $0xffff, v59;
	v59 =	vadd.s32 v19, v44  }
0x114: {  	v61 =	vadd.s32 v23, v38;
	[tilespmem:v55+s15+$0x0] =	vst.idx.msk $0xffff, v41;
	v60 =	vld [tilespmem:s30+$0x60]  }
0x115: {  	[tilespmem:v53+s15+$0x0] =	vst.idx.msk $0xffff, v63;
	v63 =	vadd.s32 v27, v35;
	v62 =	vld [tilespmem:s30+$0xA0]  }
0x116: {  	v47 =	vadd.s32 v8, v47;
	v55 =	vld [tilespmem:s30+$0xFFFFFF70];
	[tilespmem:v57+s15+$0x0] =	vst.idx.msk $0xffff, v56  }
0x117: {  	v53 =	vld [tilespmem:s30+$0xFFFFFF20];
	[tilespmem:v54+s15+$0x0] =	vst.idx.msk $0xffff, v34;
	v54 =	vadd.s32 v3, v45  }
0x118: {  	v40 =	vadd.s32 v12, v40;
	v56 =	vld [tilespmem:s30+$0xFFFFFFB0];
	[tilespmem:v59+s15+$0x0] =	vst.idx.msk $0xffff, v58  }
0x119: {  	v42 =	vadd.s32 v16, v42;
	v57 =	vld [tilespmem:s30+$0xFFFFFFF0];
	[tilespmem:v61+s15+$0x0] =	vst.idx.msk $0xffff, v60  }
0x11a: {  	v59 =	vadd.s32 v20, v44;
	v58 =	vld [tilespmem:s30+$0x30];
	[tilespmem:v63+s15+$0x0] =	vst.idx.msk $0xffff, v62  }
0x11b: {  	s22 =	sadd.s32 s6, s20;
	v38 =	vadd.s32 v24, v38;
	v60 =	vld [tilespmem:s30+$0x70];
	[tilespmem:v47+s15+$0x0] =	vst.idx.msk $0xffff, v55  }
0x11c: {  	s31 =	sshrl.u32 s22, $0x5;
	v35 =	vadd.s32 v28, v35;
	v61 =	vld [tilespmem:s30+$0xB0];
	[tilespmem:v54+s15+$0x0] =	vst.idx.msk $0xffff, v53  }
0x11d: {  	s24 =	sand.u32 $0x7, s20;
	s23 =	sand.u32 $0x3FF8, s31;
	v63 =	vadd.s32 v4, v45;
	[tilespmem:v40+s15+$0x0] =	vst.idx.msk $0xffff, v56;
	v62 =	vld [tilespmem:s30+$0xFFFFFF30]  }
0x11e: {  	s25 =	sshll.u32 s22, $0x7;
	s20 =	sor.u32 s24, s23;
	[tilespmem:v42+s15+$0x0] =	vst.idx.msk $0xffff, v57  }
0x11f: {  	s21 =	sand.u32 $0x7C00, s25;
	s20 =	sshll.u32 s20, $0x12;
	[tilespmem:v59+s15+$0x0] =	vst.idx.msk $0xffff, v58  }
0x120: {  	s20 =	sor.u32 s21, s20;
	[tilespmem:v38+s15+$0x0] =	vst.idx.msk $0xffff, v60  }
0x121: {  	s20 =	sshrl.u32 s20, $0x3;
	[tilespmem:v35+s15+$0x0] =	vst.idx.msk $0xffff, v61  }
0x122: {  	s26 =	simm.s32 $0xC600;
	s21 =	sadd.s32 s2, s20;
	[tilespmem:v63+s15+$0x0] =	vst.idx.msk $0xffff, v62  }
0x123: {  	[hbm4b:s21+s3] =	stream.linear.scatter [tilespmem:s26], [sflag:$0x4], $0x80, $0x38;
	[tilespmem:$0xE800] =	vst v63  }
0x124: {  	s28 =	simm.s32 $0xC688;
	s29 =	sadd.s32 $0x10, s21  }
0x125: {  	[hbm4b:s29+s3] =	stream.linear.scatter [tilespmem:s28], [sflag:$0x4], $0x80, $0x38;
	[tilespmem:$0xE800] =	vst v63  }
0x126: {  	s22 =	simm.s32 $0x2200;
	s31 =	sadd.s32 $0x20, s21;
	s30 =	simm.s32 $0xC710  }
0x127: {  	[hbm4b:s31+s3] =	stream.linear.scatter [tilespmem:s30], [sflag:$0x4], $0x80, $0x38;
	[tilespmem:$0xE800] =	vst v63  }
0x128: {  	s23 =	simm.s32 $0xC798;
	s25 =	simm.s32 $0xC820;
	s24 =	sadd.s32 $0x30, s21  }
0x129: {  	[hbm4b:s24+s3] =	stream.linear.scatter [tilespmem:s23], [sflag:$0x4], $0x80, $0x38;
	[tilespmem:$0xE800] =	vst v63  }
0x12a: {  	s20 =	simm.s32 $0x440;
	s26 =	sadd.s32 $0x40, s21;
	s28 =	simm.s32 $0xC8A8  }
0x12b: {  	[hbm4b:s26+s3] =	stream.linear.scatter [tilespmem:s25], [sflag:$0x4], $0x80, $0x38;
	[tilespmem:$0xE800] =	vst v63  }
0x12c: {  	s29 =	sadd.s32 $0x50, s21;
	s30 =	simm.s32 $0xC930;
	s31 =	sadd.s32 $0x60, s21  }
0x12d: {  	[hbm4b:s29+s3] =	stream.linear.scatter [tilespmem:s28], [sflag:$0x4], $0x80, $0x38;
	[tilespmem:$0xE800] =	vst v63  }
0x12e: {  	s23 =	simm.s32 $0xC9B8;
	s24 =	sadd.s32 $0x70, s21;
	s21 =	sadd.s32 $0x1000, s21  }
0x12f: {  	[hbm4b:s31+s3] =	stream.linear.scatter [tilespmem:s30], [sflag:$0x4], $0x80, $0x38;
	[tilespmem:$0xE800] =	vst v63  }
.LBB2_9:
0x130: {  	[hbm4b:s24+s3] =	stream.linear.scatter [tilespmem:s23], [sflag:$0x4], $0x80, $0x38;
	[tilespmem:$0xE800] =	vst v63  }
0x131: {  	s23 =	smov.u32 s20;
	s20 =	smov.u32 s22  }
0x132: {  	s25 =	sadd.s32 $0x1100, s22;
	s20 =	sshra.s32 s20, $0x2;
	s24 =	sadd.s32 $0xC600, s23  }
0x133: {  	[hbm4b:s21+s3] =	stream.linear.scatter [tilespmem:s24], [sflag:$0x4], $0x80, $0x38;
	[tilespmem:$0xE800] =	vst v63  }
0x134: {  	p0 =	sne.s32 s22, $0x7700;
	s22 =	sadd.s32 $0xC688, s23;
	s24 =	sadd.s32 $0x10, s21  }
0x135: {  	[hbm4b:s24+s3] =	stream.linear.scatter [tilespmem:s22], [sflag:$0x4], $0x80, $0x38;
	[tilespmem:$0xE800] =	vst v63  }
0x136: {  	s22 =	sadd.s32 $0xC710, s23;
	s24 =	sadd.s32 $0x20, s21  }
0x137: {  	[hbm4b:s24+s3] =	stream.linear.scatter [tilespmem:s22], [sflag:$0x4], $0x80, $0x38;
	[tilespmem:$0xE800] =	vst v63  }
0x138: {  	s22 =	sadd.s32 $0xC798, s23;
	s24 =	sadd.s32 $0x30, s21  }
0x139: {  	[hbm4b:s24+s3] =	stream.linear.scatter [tilespmem:s22], [sflag:$0x4], $0x80, $0x38;
	[tilespmem:$0xE800] =	vst v63  }
0x13a: {  	s22 =	sadd.s32 $0xC820, s23;
	s24 =	sadd.s32 $0x40, s21  }
0x13b: {  	[hbm4b:s24+s3] =	stream.linear.scatter [tilespmem:s22], [sflag:$0x4], $0x80, $0x38;
	[tilespmem:$0xE800] =	vst v63  }
.Ltmp3:
0x13c: {  	s22 =	sadd.s32 $0xC8A8, s23;
	s24 =	sadd.s32 $0x50, s21;
	(pc) =	sbr.rel @p0 .LBB2_9-.Ltmp3, $4  }
0x13d: {  	[hbm4b:s24+s3] =	stream.linear.scatter [tilespmem:s22], [sflag:$0x4], $0x80, $0x38;
	[tilespmem:$0xE800] =	vst v63  }
0x13e: {  	s22 =	sadd.s32 $0xC930, s23;
	s24 =	sadd.s32 $0x60, s21;
	s23 =	sadd.s32 $0xC9B8, s23  }
0x13f: {  	[hbm4b:s24+s3] =	stream.linear.scatter [tilespmem:s22], [sflag:$0x4], $0x80, $0x38;
	[tilespmem:$0xE800] =	vst v63  }
0x140: {  	s24 =	sadd.s32 $0x70, s21;
	s21 =	sadd.s32 $0x1000, s21;
	s22 =	smov.u32 s25  }
0x141: {  	[hbm4b:s24+s3] =	stream.linear.scatter [tilespmem:s23], [sflag:$0x4], $0x80, $0x38;
	[tilespmem:$0xE800] =	vst v63  }
0x142: {  	s22 =	sadd.s32 $0xC600, s20  }
0x143: {  	[hbm4b:s21+s3] =	stream.linear.scatter [tilespmem:s22], [sflag:$0x4], $0x80, $0x38;
	[tilespmem:$0xE800] =	vst v63  }
0x144: {  	s25 =	sadd.s32 $0xC688, s20;
	s26 =	sadd.s32 $0x10, s21  }
0x145: {  	[hbm4b:s26+s3] =	stream.linear.scatter [tilespmem:s25], [sflag:$0x4], $0x80, $0x38;
	[tilespmem:$0xE800] =	vst v63  }
0x146: {  	s28 =	sadd.s32 $0xC710, s20;
	s29 =	sadd.s32 $0x20, s21  }
0x147: {  	[hbm4b:s29+s3] =	stream.linear.scatter [tilespmem:s28], [sflag:$0x4], $0x80, $0x38;
	[tilespmem:$0xE800] =	vst v63  }
0x148: {  	s30 =	sadd.s32 $0xC798, s20;
	s31 =	sadd.s32 $0x30, s21  }
0x149: {  	[hbm4b:s31+s3] =	stream.linear.scatter [tilespmem:s30], [sflag:$0x4], $0x80, $0x38;
	[tilespmem:$0xE800] =	vst v63  }
0x14a: {  	s23 =	sadd.s32 $0xC820, s20;
	s24 =	sadd.s32 $0x40, s21;
	s19 =	sadd.s32 $0x1, s19  }
0x14b: {  	[hbm4b:s24+s3] =	stream.linear.scatter [tilespmem:s23], [sflag:$0x4], $0x80, $0x38;
	[tilespmem:$0xE800] =	vst v63  }
0x14c: {  	p0 =	sne.s32 s19, $0x64;
	s25 =	sadd.s32 $0xC8A8, s20;
	s26 =	sadd.s32 $0x50, s21  }
0x14d: {  	[hbm4b:s26+s3] =	stream.linear.scatter [tilespmem:s25], [sflag:$0x4], $0x80, $0x38;
	[tilespmem:$0xE800] =	vst v63  }
.Ltmp4:
0x14e: {  	_ = 	snop;
	(pc) =	sbr.rel @p0 .LBB2_2-.Ltmp4, $4  }
0x14f: {  	s28 =	sadd.s32 $0xC930, s20;
	s29 =	sadd.s32 $0x60, s21  }
0x150: {  	[hbm4b:s29+s3] =	stream.linear.scatter [tilespmem:s28], [sflag:$0x4], $0x80, $0x38;
	[tilespmem:$0xE800] =	vst v63  }
0x151: {  	s30 =	sadd.s32 $0xC9B8, s20;
	s31 =	sadd.s32 $0x70, s21  }
0x152: {  	[hbm4b:s31+s3] =	stream.linear.scatter [tilespmem:s30], [sflag:$0x4], $0x80, $0x38;
	[tilespmem:$0xE800] =	vst v63  }
0x153: {  	s18 =	sadd.s32 $0x1, s18  }
0x154: {  	_ =	swait.ge [sflag:s16], $0x2000;
	p0 =	sne.s32 s18, s7  }
.Ltmp5:
0x155: {  	[sflag:s16] =	ssyncset.done $0x0;
	(pc) =	sbr.rel @p0 .LBB2_1-.Ltmp5, $4  }
0x156: {  	[sflag:s16] =	ssyncadd.s32 $0xFFFFE000  }
0x157: {  	_ =	swait.ge [sflag:s17], $0x2000  }
0x158: {  	[sflag:s17] =	ssyncset.done $0x0  }
0x159: {  	[sflag:s17] =	ssyncadd.s32 $0xFFFFE000  }
0x15a: {  	_ =	sfence.sel $0x180000  }
0x15b: {  	[bflag:$0x0] =	sbarrier.arrive $0xFFFF  }
0x15c: {  	p0 =	sne.s32 s0, $0x0;
	_ =	strace $0x90000047  }
0x15d: {  	s0 =	sadd.s32 @!p0 $0x100000, s1;
	[bflag:$0x2] =	sbarrier.arrive $0xFFFF  }
0x15e: {  	[sflag:s0] =	ssyncadd.tile.s32 @!p0 $0x1;
	_ =	shalt  }
.Lfunc_end2:
_tile_overlayer_lowered:
.L_overlay_start_2:
0x15f: {  	(tag) =	ssettag $0x2  }
0x160: {  	s0 =	rddreg [dreg:$0x0];
	s2 =	stileid.u32  }
0x161: {  	s1 =	rddreg [dreg:$0x1];
	p0 =	sne.s32 s2, $0x0  }
0x162: {  	s3 =	rddreg [dreg:$0x2];
	[bflag:$0x3] =	sbarrier.arrive $0xFFFF;
	s2 =	simm.s32 @!p0 $0x1C05  }
0x163: {  	[timem:s3], [sflag:s2] =	dma.local @!p0 [hbm:s0], s1  }
0x164: {  	s0 =	simm.s32 @!p0 $0x5  }
0x165: {  	_ =	swait.ge @!p0 [sflag:s0], s1  }
0x166: {  	s1 =	ssub.s32 @!p0 $0x0, s1;
	[sflag:s0] =	ssyncset.done @!p0 $0x0  }
0x167: {  	[sflag:s0] =	ssyncadd.s32 @!p0 s1  }
0x168: {  	[bflag:$0x3] =	sbarrier.arrive $0xFFFF  }
0x169: {  	_ =	shalt  }

</sc_bundles>
